<compile_context>
chip_gen: v7x
topology: tpu7x:2x2x1
jax: 0.10.2.dev20260603
libtpu: 0.0.44.dev20260713+nightly
codegen_flags: <defaults>
</compile_context>

<pallas_src>
import jax
import jax.numpy as jnp
from jax import lax
from jax.experimental import pallas as pl
from jax.experimental.pallas import tpu as pltpu
from jax.experimental.pallas import tpu_sc as plsc

BATCH = 16384
EMBED_DIM = 64
LANES = 16
CHUNK = 128

_info = plsc.get_sparse_core_info()
NC, NS = _info.num_cores, _info.num_subcores
NW = NC * NS
B_PER_W = BATCH // NW
N_CHUNKS = B_PER_W // CHUNK


def _sc_body(uids, iids, utab, itab, w_hbm, b_hbm, out_hbm,
             uidx_v, iidx_v, urows_v, irows_v, w_v, b_v, out_v, sem_u, sem_i):
    wid = lax.axis_index("s") * NC + lax.axis_index("c")
    base = wid * B_PER_W

    pltpu.sync_copy(uids.at[pl.ds(wid * N_CHUNKS, N_CHUNKS)], uidx_v)
    pltpu.sync_copy(iids.at[pl.ds(wid * N_CHUNKS, N_CHUNKS)], iidx_v)
    pltpu.sync_copy(w_hbm, w_v)
    pltpu.sync_copy(b_hbm, b_v)

    copies = []
    for j in range(N_CHUNKS):
        dst = pl.ds(j * CHUNK, CHUNK)
        copies.append(pltpu.async_copy(utab.at[uidx_v.at[j]], urows_v.at[dst], sem_u))
        copies.append(pltpu.async_copy(itab.at[iidx_v.at[j]], irows_v.at[dst], sem_i))
    for c in copies:
        c.wait()

    w_chunks = [w_v[pl.ds(k * LANES, LANES)] for k in range(EMBED_DIM // LANES)]
    bvec = b_v[pl.ds(0, LANES)]
    iota16 = lax.iota(jnp.int32, LANES)
    cols = [jnp.full((LANES,), d, jnp.int32) for d in range(EMBED_DIM)]

    def group(g, carry):
        rows = g * LANES + iota16
        acc = bvec
        for d in range(EMBED_DIM):
            ug = plsc.load_gather(urows_v, [rows, cols[d]])
            ig = plsc.load_gather(irows_v, [rows, cols[d]])
            acc = acc + ug * ig * w_chunks[d // LANES][d % LANES]
        out_v[pl.ds(g * LANES, LANES)] = acc
        return carry

    lax.fori_loop(0, B_PER_W // LANES, group, 0)

    pltpu.sync_copy(out_v, out_hbm.at[pl.ds(base, B_PER_W)])


@jax.jit
def _run(uids2d, iids2d, user_table, item_table, w_vec, b_vec):
    mesh = plsc.VectorSubcoreMesh(core_axis_name="c", subcore_axis_name="s")
    return pl.kernel(
        _sc_body,
        out_type=jax.ShapeDtypeStruct((BATCH,), jnp.float32),
        mesh=mesh,
        compiler_params=pltpu.CompilerParams(
            needs_layout_passes=False, use_tc_tiling_on_sc=False),
        scratch_types=[
            pltpu.VMEM((N_CHUNKS, CHUNK), jnp.int32),
            pltpu.VMEM((N_CHUNKS, CHUNK), jnp.int32),
            pltpu.VMEM((B_PER_W, EMBED_DIM), jnp.float32),
            pltpu.VMEM((B_PER_W, EMBED_DIM), jnp.float32),
            pltpu.VMEM((EMBED_DIM,), jnp.float32),
            pltpu.VMEM((LANES,), jnp.float32),
            pltpu.VMEM((B_PER_W,), jnp.float32),
            pltpu.SemaphoreType.DMA,
            pltpu.SemaphoreType.DMA,
        ],
    )(uids2d, iids2d, user_table, item_table, w_vec, b_vec)


def kernel(user_ids, item_ids, user_table, item_table, fc_w, fc_b):
    uids2d = user_ids.reshape(BATCH // CHUNK, CHUNK)
    iids2d = item_ids.reshape(BATCH // CHUNK, CHUNK)
    w_vec = fc_w.reshape(EMBED_DIM)
    b_vec = jnp.broadcast_to(fc_b, (LANES,))
    return _run(uids2d, iids2d, user_table, item_table, w_vec, b_vec)

# --- scband reference (transcript-rebuilt; emitter-appended) ---
"""Pipeline reference for scband-laptop-recommendation-model-2156073583143 (READ-ONLY COPY).

The authoritative reference and input builder live on the scoring server;
editing this copy changes nothing except your own understanding.
"""

import jax, jax.numpy as jnp
import numpy as np

NUM_USERS = 1000000
NUM_ITEMS = 1000000
EMBED_DIM = 64
BATCH = 16384


def setup_inputs(seed: int = 0) -> dict:
    key = jax.random.key(seed)
    k1, k2, k3, k4, k5, k6 = jax.random.split(key, 6)
    user_ids = jax.random.randint(k1, (BATCH,), 0, NUM_USERS, dtype=jnp.int64 if jax.config.jax_enable_x64 else jnp.int32).astype(jnp.int32)
    item_ids = jax.random.randint(k2, (BATCH,), 0, NUM_ITEMS, dtype=jnp.int32)
    user_table = jax.random.normal(k3, (NUM_USERS, EMBED_DIM), dtype=jnp.float32)
    item_table = jax.random.normal(k4, (NUM_ITEMS, EMBED_DIM), dtype=jnp.float32)
    fc_w = jax.random.normal(k5, (1, EMBED_DIM), dtype=jnp.float32) * (1.0 / np.sqrt(EMBED_DIM))
    fc_b = jax.random.normal(k6, (1,), dtype=jnp.float32) * 0.01
    return {"user_ids": user_ids, "item_ids": item_ids, "user_table": user_table, "item_table": item_table, "fc_w": fc_w, "fc_b": fc_b}


def reference(user_ids, item_ids, user_table, item_table, fc_w, fc_b):
    user_embeds = jnp.take(user_table, user_ids, axis=0)   # [B, D]
    item_embeds = jnp.take(item_table, item_ids, axis=0)   # [B, D]
    interaction = user_embeds * item_embeds                 # [B, D]
    out = interaction @ fc_w.T + fc_b                       # [B, 1]
    return jnp.squeeze(out, axis=-1)                        # [B]

if __name__ == "__main__":
    import jax
    _d = setup_inputs()
    print(jax.jit(kernel)(*tuple(_d.values())))

</pallas_src>

<mosaic_0001>
#map = affine_map<(d0, d1) -> (0, 0)>
#map1 = affine_map<(d0, d1) -> (0)>
module attributes {stable_mosaic.version = 14 : i64} {
  func.func @_sc_body(%arg0: i32, %arg1: i32, %arg2: memref<128x128xi32, #tpu.memory_space<hbm>>, %arg3: memref<128x128xi32, #tpu.memory_space<hbm>>, %arg4: memref<1000000x64xf32, #tpu.memory_space<hbm>>, %arg5: memref<1000000x64xf32, #tpu.memory_space<hbm>>, %arg6: memref<64xf32, #tpu.memory_space<hbm>>, %arg7: memref<16xf32, #tpu.memory_space<hbm>>, %arg8: memref<16384xf32, #tpu.memory_space<hbm>>, %arg9: memref<4x128xi32, #tpu.memory_space<vmem>>, %arg10: memref<4x128xi32, #tpu.memory_space<vmem>>, %arg11: memref<512x64xf32, #tpu.memory_space<vmem>>, %arg12: memref<512x64xf32, #tpu.memory_space<vmem>>, %arg13: memref<64xf32, #tpu.memory_space<vmem>>, %arg14: memref<16xf32, #tpu.memory_space<vmem>>, %arg15: memref<512xf32, #tpu.memory_space<vmem>>, %arg16: memref<!tpu.dma_semaphore, #tpu.memory_space<semaphore_mem>>, %arg17: memref<!tpu.dma_semaphore, #tpu.memory_space<semaphore_mem>>) attributes {dimension_semantics = [#tpu.dimension_semantics<core_parallel>, #tpu.dimension_semantics<subcore_parallel>], iteration_bounds = array<i64: 2, 16>, scalar_prefetch = 0 : i64, scratch_operands = 9 : i64, tpu.core_type = #tpu.core_type<sc_vector_subcore>, window_params = [{transform_indices = #map}, {transform_indices = #map}, {transform_indices = #map}, {transform_indices = #map}, {transform_indices = #map1}, {transform_indices = #map1}, {transform_indices = #map1}]} {
    %mul3A = arith.constant 2 : i32
    %mul3A_0 = arith.muli %arg1, %mul3A : i32
    %add3A = arith.addi %mul3A_0, %arg0 : i32
    %mul3A_1 = arith.constant 512 : i32
    %mul3A_2 = arith.muli %add3A, %mul3A_1 : i32
    %mul3A_3 = arith.constant 4 : i32
    %mul3A_4 = arith.muli %add3A, %mul3A_3 : i32
    "tpu.region"() ({
      %run_scoped3A = tpu.sem_alloc : memref<!tpu.dma_semaphore, #tpu.memory_space<semaphore_mem>>
      %dma_start3A_306 = arith.constant 0 : i32
      %dma_start3A_307 = tpu.memref_slice %arg2[%mul3A_4, %dma_start3A_306] : memref<128x128xi32, #tpu.memory_space<hbm>> -> memref<4x128xi32, #tpu.memory_space<hbm>>
      %dma_start3A_308 = arith.constant 0 : i32
      %dma_start3A_309 = tpu.memref_slice %arg2[%mul3A_4, %dma_start3A_308] : memref<128x128xi32, #tpu.memory_space<hbm>> -> memref<4x128xi32, #tpu.memory_space<hbm>>
      tpu.enqueue_dma source(%dma_start3A_309 : memref<4x128xi32, #tpu.memory_space<hbm>>) target(%arg9 : memref<4x128xi32, #tpu.memory_space<vmem>>) target_semaphore(%run_scoped3A : memref<!tpu.dma_semaphore, #tpu.memory_space<semaphore_mem>>)
      %dma_wait3A_310 = arith.constant 0 : i32
      %dma_wait3A_311 = tpu.memref_slice %arg2[%mul3A_4, %dma_wait3A_310] : memref<128x128xi32, #tpu.memory_space<hbm>> -> memref<4x128xi32, #tpu.memory_space<hbm>>
      %dma_wait3A_312 = arith.constant 0 : i32
      %dma_wait3A_313 = tpu.memref_slice %arg2[%mul3A_4, %dma_wait3A_312] : memref<128x128xi32, #tpu.memory_space<hbm>> -> memref<4x128xi32, #tpu.memory_space<hbm>>
      tpu.wait_dma2 semaphore(%run_scoped3A : memref<!tpu.dma_semaphore, #tpu.memory_space<semaphore_mem>>) src(%dma_wait3A_313 : memref<4x128xi32, #tpu.memory_space<hbm>>) dst(%arg9 : memref<4x128xi32, #tpu.memory_space<vmem>>)
      tpu.yield
    }) : () -> ()
    %mul3A_5 = arith.constant 4 : i32
    %mul3A_6 = arith.muli %add3A, %mul3A_5 : i32
    "tpu.region"() ({
      %run_scoped3A = tpu.sem_alloc : memref<!tpu.dma_semaphore, #tpu.memory_space<semaphore_mem>>
      %dma_start3A_306 = arith.constant 0 : i32
      %dma_start3A_307 = tpu.memref_slice %arg3[%mul3A_6, %dma_start3A_306] : memref<128x128xi32, #tpu.memory_space<hbm>> -> memref<4x128xi32, #tpu.memory_space<hbm>>
      %dma_start3A_308 = arith.constant 0 : i32
      %dma_start3A_309 = tpu.memref_slice %arg3[%mul3A_6, %dma_start3A_308] : memref<128x128xi32, #tpu.memory_space<hbm>> -> memref<4x128xi32, #tpu.memory_space<hbm>>
      tpu.enqueue_dma source(%dma_start3A_309 : memref<4x128xi32, #tpu.memory_space<hbm>>) target(%arg10 : memref<4x128xi32, #tpu.memory_space<vmem>>) target_semaphore(%run_scoped3A : memref<!tpu.dma_semaphore, #tpu.memory_space<semaphore_mem>>)
      %dma_wait3A_310 = arith.constant 0 : i32
      %dma_wait3A_311 = tpu.memref_slice %arg3[%mul3A_6, %dma_wait3A_310] : memref<128x128xi32, #tpu.memory_space<hbm>> -> memref<4x128xi32, #tpu.memory_space<hbm>>
      %dma_wait3A_312 = arith.constant 0 : i32
      %dma_wait3A_313 = tpu.memref_slice %arg3[%mul3A_6, %dma_wait3A_312] : memref<128x128xi32, #tpu.memory_space<hbm>> -> memref<4x128xi32, #tpu.memory_space<hbm>>
      tpu.wait_dma2 semaphore(%run_scoped3A : memref<!tpu.dma_semaphore, #tpu.memory_space<semaphore_mem>>) src(%dma_wait3A_313 : memref<4x128xi32, #tpu.memory_space<hbm>>) dst(%arg10 : memref<4x128xi32, #tpu.memory_space<vmem>>)
      tpu.yield
    }) : () -> ()
    "tpu.region"() ({
      %run_scoped3A = tpu.sem_alloc : memref<!tpu.dma_semaphore, #tpu.memory_space<semaphore_mem>>
      tpu.enqueue_dma source(%arg6 : memref<64xf32, #tpu.memory_space<hbm>>) target(%arg13 : memref<64xf32, #tpu.memory_space<vmem>>) target_semaphore(%run_scoped3A : memref<!tpu.dma_semaphore, #tpu.memory_space<semaphore_mem>>)
      tpu.wait_dma2 semaphore(%run_scoped3A : memref<!tpu.dma_semaphore, #tpu.memory_space<semaphore_mem>>) src(%arg6 : memref<64xf32, #tpu.memory_space<hbm>>) dst(%arg13 : memref<64xf32, #tpu.memory_space<vmem>>)
      tpu.yield
    }) : () -> ()
    "tpu.region"() ({
      %run_scoped3A = tpu.sem_alloc : memref<!tpu.dma_semaphore, #tpu.memory_space<semaphore_mem>>
      tpu.enqueue_dma source(%arg7 : memref<16xf32, #tpu.memory_space<hbm>>) target(%arg14 : memref<16xf32, #tpu.memory_space<vmem>>) target_semaphore(%run_scoped3A : memref<!tpu.dma_semaphore, #tpu.memory_space<semaphore_mem>>)
      tpu.wait_dma2 semaphore(%run_scoped3A : memref<!tpu.dma_semaphore, #tpu.memory_space<semaphore_mem>>) src(%arg7 : memref<16xf32, #tpu.memory_space<hbm>>) dst(%arg14 : memref<16xf32, #tpu.memory_space<vmem>>)
      tpu.yield
    }) : () -> ()
    %dma_start3A = arith.constant 0 : i32
    %dma_start3A_7 = arith.constant 0 : i32
    %dma_start3A_8 = arith.constant 0 : i32
    %dma_start3A_9 = tpu.memref_slice %arg11[%dma_start3A_7, %dma_start3A_8] : memref<512x64xf32, #tpu.memory_space<vmem>> -> memref<128x64xf32, #tpu.memory_space<vmem>>
    %dma_start3A_10 = arith.constant 0 : i32
    %dma_start3A_11 = tpu.memref_slice %arg9[%dma_start3A, %dma_start3A_10] : memref<4x128xi32, #tpu.memory_space<vmem>> -> memref<1x128xi32, #tpu.memory_space<vmem>>
    %dma_start3A_12 = tpu.memref_squeeze %dma_start3A_11 : memref<1x128xi32, #tpu.memory_space<vmem>> -> memref<128xi32, #tpu.memory_space<vmem>>
    %dma_start3A_13 = arith.constant 0 : i32
    %dma_start3A_14 = arith.constant 0 : i32
    %dma_start3A_15 = tpu.memref_slice %arg4[%dma_start3A_13, %dma_start3A_14] : memref<1000000x64xf32, #tpu.memory_space<hbm>> -> memref<1000000x64xf32, #tpu.memory_space<hbm>>
    tpu.enqueue_indirect_dma source(%dma_start3A_15 : memref<1000000x64xf32, #tpu.memory_space<hbm>>) target(%dma_start3A_9 : memref<128x64xf32, #tpu.memory_space<vmem>>) offsets(%dma_start3A_12 : memref<128xi32, #tpu.memory_space<vmem>>) semaphore(%arg16 : memref<!tpu.dma_semaphore, #tpu.memory_space<semaphore_mem>>)
    %dma_start3A_16 = arith.constant 0 : i32
    %dma_start3A_17 = arith.constant 0 : i32
    %dma_start3A_18 = arith.constant 0 : i32
    %dma_start3A_19 = tpu.memref_slice %arg12[%dma_start3A_17, %dma_start3A_18] : memref<512x64xf32, #tpu.memory_space<vmem>> -> memref<128x64xf32, #tpu.memory_space<vmem>>
    %dma_start3A_20 = arith.constant 0 : i32
    %dma_start3A_21 = tpu.memref_slice %arg10[%dma_start3A_16, %dma_start3A_20] : memref<4x128xi32, #tpu.memory_space<vmem>> -> memref<1x128xi32, #tpu.memory_space<vmem>>
    %dma_start3A_22 = tpu.memref_squeeze %dma_start3A_21 : memref<1x128xi32, #tpu.memory_space<vmem>> -> memref<128xi32, #tpu.memory_space<vmem>>
    %dma_start3A_23 = arith.constant 0 : i32
    %dma_start3A_24 = arith.constant 0 : i32
    %dma_start3A_25 = tpu.memref_slice %arg5[%dma_start3A_23, %dma_start3A_24] : memref<1000000x64xf32, #tpu.memory_space<hbm>> -> memref<1000000x64xf32, #tpu.memory_space<hbm>>
    tpu.enqueue_indirect_dma source(%dma_start3A_25 : memref<1000000x64xf32, #tpu.memory_space<hbm>>) target(%dma_start3A_19 : memref<128x64xf32, #tpu.memory_space<vmem>>) offsets(%dma_start3A_22 : memref<128xi32, #tpu.memory_space<vmem>>) semaphore(%arg17 : memref<!tpu.dma_semaphore, #tpu.memory_space<semaphore_mem>>)
    %dma_start3A_26 = arith.constant 1 : i32
    %dma_start3A_27 = arith.constant 128 : i32
    %dma_start3A_28 = arith.constant 0 : i32
    %dma_start3A_29 = tpu.memref_slice %arg11[%dma_start3A_27, %dma_start3A_28] : memref<512x64xf32, #tpu.memory_space<vmem>> -> memref<128x64xf32, #tpu.memory_space<vmem>>
    %dma_start3A_30 = arith.constant 0 : i32
    %dma_start3A_31 = tpu.memref_slice %arg9[%dma_start3A_26, %dma_start3A_30] : memref<4x128xi32, #tpu.memory_space<vmem>> -> memref<1x128xi32, #tpu.memory_space<vmem>>
    %dma_start3A_32 = tpu.memref_squeeze %dma_start3A_31 : memref<1x128xi32, #tpu.memory_space<vmem>> -> memref<128xi32, #tpu.memory_space<vmem>>
    %dma_start3A_33 = arith.constant 0 : i32
    %dma_start3A_34 = arith.constant 0 : i32
    %dma_start3A_35 = tpu.memref_slice %arg4[%dma_start3A_33, %dma_start3A_34] : memref<1000000x64xf32, #tpu.memory_space<hbm>> -> memref<1000000x64xf32, #tpu.memory_space<hbm>>
    tpu.enqueue_indirect_dma source(%dma_start3A_35 : memref<1000000x64xf32, #tpu.memory_space<hbm>>) target(%dma_start3A_29 : memref<128x64xf32, #tpu.memory_space<vmem>>) offsets(%dma_start3A_32 : memref<128xi32, #tpu.memory_space<vmem>>) semaphore(%arg16 : memref<!tpu.dma_semaphore, #tpu.memory_space<semaphore_mem>>)
    %dma_start3A_36 = arith.constant 1 : i32
    %dma_start3A_37 = arith.constant 128 : i32
    %dma_start3A_38 = arith.constant 0 : i32
    %dma_start3A_39 = tpu.memref_slice %arg12[%dma_start3A_37, %dma_start3A_38] : memref<512x64xf32, #tpu.memory_space<vmem>> -> memref<128x64xf32, #tpu.memory_space<vmem>>
    %dma_start3A_40 = arith.constant 0 : i32
    %dma_start3A_41 = tpu.memref_slice %arg10[%dma_start3A_36, %dma_start3A_40] : memref<4x128xi32, #tpu.memory_space<vmem>> -> memref<1x128xi32, #tpu.memory_space<vmem>>
    %dma_start3A_42 = tpu.memref_squeeze %dma_start3A_41 : memref<1x128xi32, #tpu.memory_space<vmem>> -> memref<128xi32, #tpu.memory_space<vmem>>
    %dma_start3A_43 = arith.constant 0 : i32
    %dma_start3A_44 = arith.constant 0 : i32
    %dma_start3A_45 = tpu.memref_slice %arg5[%dma_start3A_43, %dma_start3A_44] : memref<1000000x64xf32, #tpu.memory_space<hbm>> -> memref<1000000x64xf32, #tpu.memory_space<hbm>>
    tpu.enqueue_indirect_dma source(%dma_start3A_45 : memref<1000000x64xf32, #tpu.memory_space<hbm>>) target(%dma_start3A_39 : memref<128x64xf32, #tpu.memory_space<vmem>>) offsets(%dma_start3A_42 : memref<128xi32, #tpu.memory_space<vmem>>) semaphore(%arg17 : memref<!tpu.dma_semaphore, #tpu.memory_space<semaphore_mem>>)
    %dma_start3A_46 = arith.constant 2 : i32
    %dma_start3A_47 = arith.constant 256 : i32
    %dma_start3A_48 = arith.constant 0 : i32
    %dma_start3A_49 = tpu.memref_slice %arg11[%dma_start3A_47, %dma_start3A_48] : memref<512x64xf32, #tpu.memory_space<vmem>> -> memref<128x64xf32, #tpu.memory_space<vmem>>
    %dma_start3A_50 = arith.constant 0 : i32
    %dma_start3A_51 = tpu.memref_slice %arg9[%dma_start3A_46, %dma_start3A_50] : memref<4x128xi32, #tpu.memory_space<vmem>> -> memref<1x128xi32, #tpu.memory_space<vmem>>
    %dma_start3A_52 = tpu.memref_squeeze %dma_start3A_51 : memref<1x128xi32, #tpu.memory_space<vmem>> -> memref<128xi32, #tpu.memory_space<vmem>>
    %dma_start3A_53 = arith.constant 0 : i32
    %dma_start3A_54 = arith.constant 0 : i32
    %dma_start3A_55 = tpu.memref_slice %arg4[%dma_start3A_53, %dma_start3A_54] : memref<1000000x64xf32, #tpu.memory_space<hbm>> -> memref<1000000x64xf32, #tpu.memory_space<hbm>>
    tpu.enqueue_indirect_dma source(%dma_start3A_55 : memref<1000000x64xf32, #tpu.memory_space<hbm>>) target(%dma_start3A_49 : memref<128x64xf32, #tpu.memory_space<vmem>>) offsets(%dma_start3A_52 : memref<128xi32, #tpu.memory_space<vmem>>) semaphore(%arg16 : memref<!tpu.dma_semaphore, #tpu.memory_space<semaphore_mem>>)
    %dma_start3A_56 = arith.constant 2 : i32
    %dma_start3A_57 = arith.constant 256 : i32
    %dma_start3A_58 = arith.constant 0 : i32
    %dma_start3A_59 = tpu.memref_slice %arg12[%dma_start3A_57, %dma_start3A_58] : memref<512x64xf32, #tpu.memory_space<vmem>> -> memref<128x64xf32, #tpu.memory_space<vmem>>
    %dma_start3A_60 = arith.constant 0 : i32
    %dma_start3A_61 = tpu.memref_slice %arg10[%dma_start3A_56, %dma_start3A_60] : memref<4x128xi32, #tpu.memory_space<vmem>> -> memref<1x128xi32, #tpu.memory_space<vmem>>
    %dma_start3A_62 = tpu.memref_squeeze %dma_start3A_61 : memref<1x128xi32, #tpu.memory_space<vmem>> -> memref<128xi32, #tpu.memory_space<vmem>>
    %dma_start3A_63 = arith.constant 0 : i32
    %dma_start3A_64 = arith.constant 0 : i32
    %dma_start3A_65 = tpu.memref_slice %arg5[%dma_start3A_63, %dma_start3A_64] : memref<1000000x64xf32, #tpu.memory_space<hbm>> -> memref<1000000x64xf32, #tpu.memory_space<hbm>>
    tpu.enqueue_indirect_dma source(%dma_start3A_65 : memref<1000000x64xf32, #tpu.memory_space<hbm>>) target(%dma_start3A_59 : memref<128x64xf32, #tpu.memory_space<vmem>>) offsets(%dma_start3A_62 : memref<128xi32, #tpu.memory_space<vmem>>) semaphore(%arg17 : memref<!tpu.dma_semaphore, #tpu.memory_space<semaphore_mem>>)
    %dma_start3A_66 = arith.constant 3 : i32
    %dma_start3A_67 = arith.constant 384 : i32
    %dma_start3A_68 = arith.constant 0 : i32
    %dma_start3A_69 = tpu.memref_slice %arg11[%dma_start3A_67, %dma_start3A_68] : memref<512x64xf32, #tpu.memory_space<vmem>> -> memref<128x64xf32, #tpu.memory_space<vmem>>
    %dma_start3A_70 = arith.constant 0 : i32
    %dma_start3A_71 = tpu.memref_slice %arg9[%dma_start3A_66, %dma_start3A_70] : memref<4x128xi32, #tpu.memory_space<vmem>> -> memref<1x128xi32, #tpu.memory_space<vmem>>
    %dma_start3A_72 = tpu.memref_squeeze %dma_start3A_71 : memref<1x128xi32, #tpu.memory_space<vmem>> -> memref<128xi32, #tpu.memory_space<vmem>>
    %dma_start3A_73 = arith.constant 0 : i32
    %dma_start3A_74 = arith.constant 0 : i32
    %dma_start3A_75 = tpu.memref_slice %arg4[%dma_start3A_73, %dma_start3A_74] : memref<1000000x64xf32, #tpu.memory_space<hbm>> -> memref<1000000x64xf32, #tpu.memory_space<hbm>>
    tpu.enqueue_indirect_dma source(%dma_start3A_75 : memref<1000000x64xf32, #tpu.memory_space<hbm>>) target(%dma_start3A_69 : memref<128x64xf32, #tpu.memory_space<vmem>>) offsets(%dma_start3A_72 : memref<128xi32, #tpu.memory_space<vmem>>) semaphore(%arg16 : memref<!tpu.dma_semaphore, #tpu.memory_space<semaphore_mem>>)
    %dma_start3A_76 = arith.constant 3 : i32
    %dma_start3A_77 = arith.constant 384 : i32
    %dma_start3A_78 = arith.constant 0 : i32
    %dma_start3A_79 = tpu.memref_slice %arg12[%dma_start3A_77, %dma_start3A_78] : memref<512x64xf32, #tpu.memory_space<vmem>> -> memref<128x64xf32, #tpu.memory_space<vmem>>
    %dma_start3A_80 = arith.constant 0 : i32
    %dma_start3A_81 = tpu.memref_slice %arg10[%dma_start3A_76, %dma_start3A_80] : memref<4x128xi32, #tpu.memory_space<vmem>> -> memref<1x128xi32, #tpu.memory_space<vmem>>
    %dma_start3A_82 = tpu.memref_squeeze %dma_start3A_81 : memref<1x128xi32, #tpu.memory_space<vmem>> -> memref<128xi32, #tpu.memory_space<vmem>>
    %dma_start3A_83 = arith.constant 0 : i32
    %dma_start3A_84 = arith.constant 0 : i32
    %dma_start3A_85 = tpu.memref_slice %arg5[%dma_start3A_83, %dma_start3A_84] : memref<1000000x64xf32, #tpu.memory_space<hbm>> -> memref<1000000x64xf32, #tpu.memory_space<hbm>>
    tpu.enqueue_indirect_dma source(%dma_start3A_85 : memref<1000000x64xf32, #tpu.memory_space<hbm>>) target(%dma_start3A_79 : memref<128x64xf32, #tpu.memory_space<vmem>>) offsets(%dma_start3A_82 : memref<128xi32, #tpu.memory_space<vmem>>) semaphore(%arg17 : memref<!tpu.dma_semaphore, #tpu.memory_space<semaphore_mem>>)
    %dma_wait3A = arith.constant 0 : i32
    %dma_wait3A_86 = arith.constant 0 : i32
    %dma_wait3A_87 = arith.constant 0 : i32
    %dma_wait3A_88 = tpu.memref_slice %arg11[%dma_wait3A_86, %dma_wait3A_87] : memref<512x64xf32, #tpu.memory_space<vmem>> -> memref<128x64xf32, #tpu.memory_space<vmem>>
    %dma_wait3A_89 = arith.constant 0 : i32
    %dma_wait3A_90 = tpu.memref_slice %arg9[%dma_wait3A, %dma_wait3A_89] : memref<4x128xi32, #tpu.memory_space<vmem>> -> memref<1x128xi32, #tpu.memory_space<vmem>>
    %dma_wait3A_91 = tpu.memref_squeeze %dma_wait3A_90 : memref<1x128xi32, #tpu.memory_space<vmem>> -> memref<128xi32, #tpu.memory_space<vmem>>
    %dma_wait3A_92 = arith.constant 0 : i32
    %dma_wait3A_93 = arith.constant 0 : i32
    %dma_wait3A_94 = tpu.memref_slice %arg4[%dma_wait3A_92, %dma_wait3A_93] : memref<1000000x64xf32, #tpu.memory_space<hbm>> -> memref<1000000x64xf32, #tpu.memory_space<hbm>>
    tpu.wait_indirect_dma semaphore(%arg16 : memref<!tpu.dma_semaphore, #tpu.memory_space<semaphore_mem>>) src(%dma_wait3A_94 : memref<1000000x64xf32, #tpu.memory_space<hbm>>) dst(%dma_wait3A_88 : memref<128x64xf32, #tpu.memory_space<vmem>>)
    %dma_wait3A_95 = arith.constant 0 : i32
    %dma_wait3A_96 = arith.constant 0 : i32
    %dma_wait3A_97 = arith.constant 0 : i32
    %dma_wait3A_98 = tpu.memref_slice %arg12[%dma_wait3A_96, %dma_wait3A_97] : memref<512x64xf32, #tpu.memory_space<vmem>> -> memref<128x64xf32, #tpu.memory_space<vmem>>
    %dma_wait3A_99 = arith.constant 0 : i32
    %dma_wait3A_100 = tpu.memref_slice %arg10[%dma_wait3A_95, %dma_wait3A_99] : memref<4x128xi32, #tpu.memory_space<vmem>> -> memref<1x128xi32, #tpu.memory_space<vmem>>
    %dma_wait3A_101 = tpu.memref_squeeze %dma_wait3A_100 : memref<1x128xi32, #tpu.memory_space<vmem>> -> memref<128xi32, #tpu.memory_space<vmem>>
    %dma_wait3A_102 = arith.constant 0 : i32
    %dma_wait3A_103 = arith.constant 0 : i32
    %dma_wait3A_104 = tpu.memref_slice %arg5[%dma_wait3A_102, %dma_wait3A_103] : memref<1000000x64xf32, #tpu.memory_space<hbm>> -> memref<1000000x64xf32, #tpu.memory_space<hbm>>
    tpu.wait_indirect_dma semaphore(%arg17 : memref<!tpu.dma_semaphore, #tpu.memory_space<semaphore_mem>>) src(%dma_wait3A_104 : memref<1000000x64xf32, #tpu.memory_space<hbm>>) dst(%dma_wait3A_98 : memref<128x64xf32, #tpu.memory_space<vmem>>)
    %dma_wait3A_105 = arith.constant 1 : i32
    %dma_wait3A_106 = arith.constant 128 : i32
    %dma_wait3A_107 = arith.constant 0 : i32
    %dma_wait3A_108 = tpu.memref_slice %arg11[%dma_wait3A_106, %dma_wait3A_107] : memref<512x64xf32, #tpu.memory_space<vmem>> -> memref<128x64xf32, #tpu.memory_space<vmem>>
    %dma_wait3A_109 = arith.constant 0 : i32
    %dma_wait3A_110 = tpu.memref_slice %arg9[%dma_wait3A_105, %dma_wait3A_109] : memref<4x128xi32, #tpu.memory_space<vmem>> -> memref<1x128xi32, #tpu.memory_space<vmem>>
    %dma_wait3A_111 = tpu.memref_squeeze %dma_wait3A_110 : memref<1x128xi32, #tpu.memory_space<vmem>> -> memref<128xi32, #tpu.memory_space<vmem>>
    %dma_wait3A_112 = arith.constant 0 : i32
    %dma_wait3A_113 = arith.constant 0 : i32
    %dma_wait3A_114 = tpu.memref_slice %arg4[%dma_wait3A_112, %dma_wait3A_113] : memref<1000000x64xf32, #tpu.memory_space<hbm>> -> memref<1000000x64xf32, #tpu.memory_space<hbm>>
    tpu.wait_indirect_dma semaphore(%arg16 : memref<!tpu.dma_semaphore, #tpu.memory_space<semaphore_mem>>) src(%dma_wait3A_114 : memref<1000000x64xf32, #tpu.memory_space<hbm>>) dst(%dma_wait3A_108 : memref<128x64xf32, #tpu.memory_space<vmem>>)
    %dma_wait3A_115 = arith.constant 1 : i32
    %dma_wait3A_116 = arith.constant 128 : i32
    %dma_wait3A_117 = arith.constant 0 : i32
    %dma_wait3A_118 = tpu.memref_slice %arg12[%dma_wait3A_116, %dma_wait3A_117] : memref<512x64xf32, #tpu.memory_space<vmem>> -> memref<128x64xf32, #tpu.memory_space<vmem>>
    %dma_wait3A_119 = arith.constant 0 : i32
    %dma_wait3A_120 = tpu.memref_slice %arg10[%dma_wait3A_115, %dma_wait3A_119] : memref<4x128xi32, #tpu.memory_space<vmem>> -> memref<1x128xi32, #tpu.memory_space<vmem>>
    %dma_wait3A_121 = tpu.memref_squeeze %dma_wait3A_120 : memref<1x128xi32, #tpu.memory_space<vmem>> -> memref<128xi32, #tpu.memory_space<vmem>>
    %dma_wait3A_122 = arith.constant 0 : i32
    %dma_wait3A_123 = arith.constant 0 : i32
    %dma_wait3A_124 = tpu.memref_slice %arg5[%dma_wait3A_122, %dma_wait3A_123] : memref<1000000x64xf32, #tpu.memory_space<hbm>> -> memref<1000000x64xf32, #tpu.memory_space<hbm>>
    tpu.wait_indirect_dma semaphore(%arg17 : memref<!tpu.dma_semaphore, #tpu.memory_space<semaphore_mem>>) src(%dma_wait3A_124 : memref<1000000x64xf32, #tpu.memory_space<hbm>>) dst(%dma_wait3A_118 : memref<128x64xf32, #tpu.memory_space<vmem>>)
    %dma_wait3A_125 = arith.constant 2 : i32
    %dma_wait3A_126 = arith.constant 256 : i32
    %dma_wait3A_127 = arith.constant 0 : i32
    %dma_wait3A_128 = tpu.memref_slice %arg11[%dma_wait3A_126, %dma_wait3A_127] : memref<512x64xf32, #tpu.memory_space<vmem>> -> memref<128x64xf32, #tpu.memory_space<vmem>>
    %dma_wait3A_129 = arith.constant 0 : i32
    %dma_wait3A_130 = tpu.memref_slice %arg9[%dma_wait3A_125, %dma_wait3A_129] : memref<4x128xi32, #tpu.memory_space<vmem>> -> memref<1x128xi32, #tpu.memory_space<vmem>>
    %dma_wait3A_131 = tpu.memref_squeeze %dma_wait3A_130 : memref<1x128xi32, #tpu.memory_space<vmem>> -> memref<128xi32, #tpu.memory_space<vmem>>
    %dma_wait3A_132 = arith.constant 0 : i32
    %dma_wait3A_133 = arith.constant 0 : i32
    %dma_wait3A_134 = tpu.memref_slice %arg4[%dma_wait3A_132, %dma_wait3A_133] : memref<1000000x64xf32, #tpu.memory_space<hbm>> -> memref<1000000x64xf32, #tpu.memory_space<hbm>>
    tpu.wait_indirect_dma semaphore(%arg16 : memref<!tpu.dma_semaphore, #tpu.memory_space<semaphore_mem>>) src(%dma_wait3A_134 : memref<1000000x64xf32, #tpu.memory_space<hbm>>) dst(%dma_wait3A_128 : memref<128x64xf32, #tpu.memory_space<vmem>>)
    %dma_wait3A_135 = arith.constant 2 : i32
    %dma_wait3A_136 = arith.constant 256 : i32
    %dma_wait3A_137 = arith.constant 0 : i32
    %dma_wait3A_138 = tpu.memref_slice %arg12[%dma_wait3A_136, %dma_wait3A_137] : memref<512x64xf32, #tpu.memory_space<vmem>> -> memref<128x64xf32, #tpu.memory_space<vmem>>
    %dma_wait3A_139 = arith.constant 0 : i32
    %dma_wait3A_140 = tpu.memref_slice %arg10[%dma_wait3A_135, %dma_wait3A_139] : memref<4x128xi32, #tpu.memory_space<vmem>> -> memref<1x128xi32, #tpu.memory_space<vmem>>
    %dma_wait3A_141 = tpu.memref_squeeze %dma_wait3A_140 : memref<1x128xi32, #tpu.memory_space<vmem>> -> memref<128xi32, #tpu.memory_space<vmem>>
    %dma_wait3A_142 = arith.constant 0 : i32
    %dma_wait3A_143 = arith.constant 0 : i32
    %dma_wait3A_144 = tpu.memref_slice %arg5[%dma_wait3A_142, %dma_wait3A_143] : memref<1000000x64xf32, #tpu.memory_space<hbm>> -> memref<1000000x64xf32, #tpu.memory_space<hbm>>
    tpu.wait_indirect_dma semaphore(%arg17 : memref<!tpu.dma_semaphore, #tpu.memory_space<semaphore_mem>>) src(%dma_wait3A_144 : memref<1000000x64xf32, #tpu.memory_space<hbm>>) dst(%dma_wait3A_138 : memref<128x64xf32, #tpu.memory_space<vmem>>)
    %dma_wait3A_145 = arith.constant 3 : i32
    %dma_wait3A_146 = arith.constant 384 : i32
    %dma_wait3A_147 = arith.constant 0 : i32
    %dma_wait3A_148 = tpu.memref_slice %arg11[%dma_wait3A_146, %dma_wait3A_147] : memref<512x64xf32, #tpu.memory_space<vmem>> -> memref<128x64xf32, #tpu.memory_space<vmem>>
    %dma_wait3A_149 = arith.constant 0 : i32
    %dma_wait3A_150 = tpu.memref_slice %arg9[%dma_wait3A_145, %dma_wait3A_149] : memref<4x128xi32, #tpu.memory_space<vmem>> -> memref<1x128xi32, #tpu.memory_space<vmem>>
    %dma_wait3A_151 = tpu.memref_squeeze %dma_wait3A_150 : memref<1x128xi32, #tpu.memory_space<vmem>> -> memref<128xi32, #tpu.memory_space<vmem>>
    %dma_wait3A_152 = arith.constant 0 : i32
    %dma_wait3A_153 = arith.constant 0 : i32
    %dma_wait3A_154 = tpu.memref_slice %arg4[%dma_wait3A_152, %dma_wait3A_153] : memref<1000000x64xf32, #tpu.memory_space<hbm>> -> memref<1000000x64xf32, #tpu.memory_space<hbm>>
    tpu.wait_indirect_dma semaphore(%arg16 : memref<!tpu.dma_semaphore, #tpu.memory_space<semaphore_mem>>) src(%dma_wait3A_154 : memref<1000000x64xf32, #tpu.memory_space<hbm>>) dst(%dma_wait3A_148 : memref<128x64xf32, #tpu.memory_space<vmem>>)
    %dma_wait3A_155 = arith.constant 3 : i32
    %dma_wait3A_156 = arith.constant 384 : i32
    %dma_wait3A_157 = arith.constant 0 : i32
    %dma_wait3A_158 = tpu.memref_slice %arg12[%dma_wait3A_156, %dma_wait3A_157] : memref<512x64xf32, #tpu.memory_space<vmem>> -> memref<128x64xf32, #tpu.memory_space<vmem>>
    %dma_wait3A_159 = arith.constant 0 : i32
    %dma_wait3A_160 = tpu.memref_slice %arg10[%dma_wait3A_155, %dma_wait3A_159] : memref<4x128xi32, #tpu.memory_space<vmem>> -> memref<1x128xi32, #tpu.memory_space<vmem>>
    %dma_wait3A_161 = tpu.memref_squeeze %dma_wait3A_160 : memref<1x128xi32, #tpu.memory_space<vmem>> -> memref<128xi32, #tpu.memory_space<vmem>>
    %dma_wait3A_162 = arith.constant 0 : i32
    %dma_wait3A_163 = arith.constant 0 : i32
    %dma_wait3A_164 = tpu.memref_slice %arg5[%dma_wait3A_162, %dma_wait3A_163] : memref<1000000x64xf32, #tpu.memory_space<hbm>> -> memref<1000000x64xf32, #tpu.memory_space<hbm>>
    tpu.wait_indirect_dma semaphore(%arg17 : memref<!tpu.dma_semaphore, #tpu.memory_space<semaphore_mem>>) src(%dma_wait3A_164 : memref<1000000x64xf32, #tpu.memory_space<hbm>>) dst(%dma_wait3A_158 : memref<128x64xf32, #tpu.memory_space<vmem>>)
    %get3A = arith.constant 0 : index
    %get3A_165 = tpu.vector_load %arg13[%get3A] {strides = array<i32>} : memref<64xf32, #tpu.memory_space<vmem>>, vector<16xf32>,
    %get3A_166 = arith.constant 16 : index
    %get3A_167 = tpu.vector_load %arg13[%get3A_166] {strides = array<i32>} : memref<64xf32, #tpu.memory_space<vmem>>, vector<16xf32>,
    %get3A_168 = arith.constant 32 : index
    %get3A_169 = tpu.vector_load %arg13[%get3A_168] {strides = array<i32>} : memref<64xf32, #tpu.memory_space<vmem>>, vector<16xf32>,
    %get3A_170 = arith.constant 48 : index
    %get3A_171 = tpu.vector_load %arg13[%get3A_170] {strides = array<i32>} : memref<64xf32, #tpu.memory_space<vmem>>, vector<16xf32>,
    %get3A_172 = arith.constant 0 : index
    %get3A_173 = tpu.vector_load %arg14[%get3A_172] {strides = array<i32>} : memref<16xf32, #tpu.memory_space<vmem>>, vector<16xf32>,
    %iota3A = tpu.iota {dimensions = array<i32: 0>} : vector<16xi32>
    %broadcast_in_dim3A = arith.constant 0 : i32
    %broadcast_in_dim3A_174 = vector.broadcast %broadcast_in_dim3A : i32 to vector<16xi32>
    %broadcast_in_dim3A_175 = arith.constant 1 : i32
    %broadcast_in_dim3A_176 = vector.broadcast %broadcast_in_dim3A_175 : i32 to vector<16xi32>
    %broadcast_in_dim3A_177 = arith.constant 2 : i32
    %broadcast_in_dim3A_178 = vector.broadcast %broadcast_in_dim3A_177 : i32 to vector<16xi32>
    %broadcast_in_dim3A_179 = arith.constant 3 : i32
    %broadcast_in_dim3A_180 = vector.broadcast %broadcast_in_dim3A_179 : i32 to vector<16xi32>
    %broadcast_in_dim3A_181 = arith.constant 4 : i32
    %broadcast_in_dim3A_182 = vector.broadcast %broadcast_in_dim3A_181 : i32 to vector<16xi32>
    %broadcast_in_dim3A_183 = arith.constant 5 : i32
    %broadcast_in_dim3A_184 = vector.broadcast %broadcast_in_dim3A_183 : i32 to vector<16xi32>
    %broadcast_in_dim3A_185 = arith.constant 6 : i32
    %broadcast_in_dim3A_186 = vector.broadcast %broadcast_in_dim3A_185 : i32 to vector<16xi32>
    %broadcast_in_dim3A_187 = arith.constant 7 : i32
    %broadcast_in_dim3A_188 = vector.broadcast %broadcast_in_dim3A_187 : i32 to vector<16xi32>
    %broadcast_in_dim3A_189 = arith.constant 8 : i32
    %broadcast_in_dim3A_190 = vector.broadcast %broadcast_in_dim3A_189 : i32 to vector<16xi32>
    %broadcast_in_dim3A_191 = arith.constant 9 : i32
    %broadcast_in_dim3A_192 = vector.broadcast %broadcast_in_dim3A_191 : i32 to vector<16xi32>
    %broadcast_in_dim3A_193 = arith.constant 10 : i32
    %broadcast_in_dim3A_194 = vector.broadcast %broadcast_in_dim3A_193 : i32 to vector<16xi32>
    %broadcast_in_dim3A_195 = arith.constant 11 : i32
    %broadcast_in_dim3A_196 = vector.broadcast %broadcast_in_dim3A_195 : i32 to vector<16xi32>
    %broadcast_in_dim3A_197 = arith.constant 12 : i32
    %broadcast_in_dim3A_198 = vector.broadcast %broadcast_in_dim3A_197 : i32 to vector<16xi32>
    %broadcast_in_dim3A_199 = arith.constant 13 : i32
    %broadcast_in_dim3A_200 = vector.broadcast %broadcast_in_dim3A_199 : i32 to vector<16xi32>
    %broadcast_in_dim3A_201 = arith.constant 14 : i32
    %broadcast_in_dim3A_202 = vector.broadcast %broadcast_in_dim3A_201 : i32 to vector<16xi32>
    %broadcast_in_dim3A_203 = arith.constant 15 : i32
    %broadcast_in_dim3A_204 = vector.broadcast %broadcast_in_dim3A_203 : i32 to vector<16xi32>
    %broadcast_in_dim3A_205 = arith.constant 16 : i32
    %broadcast_in_dim3A_206 = vector.broadcast %broadcast_in_dim3A_205 : i32 to vector<16xi32>
    %broadcast_in_dim3A_207 = arith.constant 17 : i32
    %broadcast_in_dim3A_208 = vector.broadcast %broadcast_in_dim3A_207 : i32 to vector<16xi32>
    %broadcast_in_dim3A_209 = arith.constant 18 : i32
    %broadcast_in_dim3A_210 = vector.broadcast %broadcast_in_dim3A_209 : i32 to vector<16xi32>
    %broadcast_in_dim3A_211 = arith.constant 19 : i32
    %broadcast_in_dim3A_212 = vector.broadcast %broadcast_in_dim3A_211 : i32 to vector<16xi32>
    %broadcast_in_dim3A_213 = arith.constant 20 : i32
    %broadcast_in_dim3A_214 = vector.broadcast %broadcast_in_dim3A_213 : i32 to vector<16xi32>
    %broadcast_in_dim3A_215 = arith.constant 21 : i32
    %broadcast_in_dim3A_216 = vector.broadcast %broadcast_in_dim3A_215 : i32 to vector<16xi32>
    %broadcast_in_dim3A_217 = arith.constant 22 : i32
    %broadcast_in_dim3A_218 = vector.broadcast %broadcast_in_dim3A_217 : i32 to vector<16xi32>
    %broadcast_in_dim3A_219 = arith.constant 23 : i32
    %broadcast_in_dim3A_220 = vector.broadcast %broadcast_in_dim3A_219 : i32 to vector<16xi32>
    %broadcast_in_dim3A_221 = arith.constant 24 : i32
    %broadcast_in_dim3A_222 = vector.broadcast %broadcast_in_dim3A_221 : i32 to vector<16xi32>
    %broadcast_in_dim3A_223 = arith.constant 25 : i32
    %broadcast_in_dim3A_224 = vector.broadcast %broadcast_in_dim3A_223 : i32 to vector<16xi32>
    %broadcast_in_dim3A_225 = arith.constant 26 : i32
    %broadcast_in_dim3A_226 = vector.broadcast %broadcast_in_dim3A_225 : i32 to vector<16xi32>
    %broadcast_in_dim3A_227 = arith.constant 27 : i32
    %broadcast_in_dim3A_228 = vector.broadcast %broadcast_in_dim3A_227 : i32 to vector<16xi32>
    %broadcast_in_dim3A_229 = arith.constant 28 : i32
    %broadcast_in_dim3A_230 = vector.broadcast %broadcast_in_dim3A_229 : i32 to vector<16xi32>
    %broadcast_in_dim3A_231 = arith.constant 29 : i32
    %broadcast_in_dim3A_232 = vector.broadcast %broadcast_in_dim3A_231 : i32 to vector<16xi32>
    %broadcast_in_dim3A_233 = arith.constant 30 : i32
    %broadcast_in_dim3A_234 = vector.broadcast %broadcast_in_dim3A_233 : i32 to vector<16xi32>
    %broadcast_in_dim3A_235 = arith.constant 31 : i32
    %broadcast_in_dim3A_236 = vector.broadcast %broadcast_in_dim3A_235 : i32 to vector<16xi32>
    %broadcast_in_dim3A_237 = arith.constant 32 : i32
    %broadcast_in_dim3A_238 = vector.broadcast %broadcast_in_dim3A_237 : i32 to vector<16xi32>
    %broadcast_in_dim3A_239 = arith.constant 33 : i32
    %broadcast_in_dim3A_240 = vector.broadcast %broadcast_in_dim3A_239 : i32 to vector<16xi32>
    %broadcast_in_dim3A_241 = arith.constant 34 : i32
    %broadcast_in_dim3A_242 = vector.broadcast %broadcast_in_dim3A_241 : i32 to vector<16xi32>
    %broadcast_in_dim3A_243 = arith.constant 35 : i32
    %broadcast_in_dim3A_244 = vector.broadcast %broadcast_in_dim3A_243 : i32 to vector<16xi32>
    %broadcast_in_dim3A_245 = arith.constant 36 : i32
    %broadcast_in_dim3A_246 = vector.broadcast %broadcast_in_dim3A_245 : i32 to vector<16xi32>
    %broadcast_in_dim3A_247 = arith.constant 37 : i32
    %broadcast_in_dim3A_248 = vector.broadcast %broadcast_in_dim3A_247 : i32 to vector<16xi32>
    %broadcast_in_dim3A_249 = arith.constant 38 : i32
    %broadcast_in_dim3A_250 = vector.broadcast %broadcast_in_dim3A_249 : i32 to vector<16xi32>
    %broadcast_in_dim3A_251 = arith.constant 39 : i32
    %broadcast_in_dim3A_252 = vector.broadcast %broadcast_in_dim3A_251 : i32 to vector<16xi32>
    %broadcast_in_dim3A_253 = arith.constant 40 : i32
    %broadcast_in_dim3A_254 = vector.broadcast %broadcast_in_dim3A_253 : i32 to vector<16xi32>
    %broadcast_in_dim3A_255 = arith.constant 41 : i32
    %broadcast_in_dim3A_256 = vector.broadcast %broadcast_in_dim3A_255 : i32 to vector<16xi32>
    %broadcast_in_dim3A_257 = arith.constant 42 : i32
    %broadcast_in_dim3A_258 = vector.broadcast %broadcast_in_dim3A_257 : i32 to vector<16xi32>
    %broadcast_in_dim3A_259 = arith.constant 43 : i32
    %broadcast_in_dim3A_260 = vector.broadcast %broadcast_in_dim3A_259 : i32 to vector<16xi32>
    %broadcast_in_dim3A_261 = arith.constant 44 : i32
    %broadcast_in_dim3A_262 = vector.broadcast %broadcast_in_dim3A_261 : i32 to vector<16xi32>
    %broadcast_in_dim3A_263 = arith.constant 45 : i32
    %broadcast_in_dim3A_264 = vector.broadcast %broadcast_in_dim3A_263 : i32 to vector<16xi32>
    %broadcast_in_dim3A_265 = arith.constant 46 : i32
    %broadcast_in_dim3A_266 = vector.broadcast %broadcast_in_dim3A_265 : i32 to vector<16xi32>
    %broadcast_in_dim3A_267 = arith.constant 47 : i32
    %broadcast_in_dim3A_268 = vector.broadcast %broadcast_in_dim3A_267 : i32 to vector<16xi32>
    %broadcast_in_dim3A_269 = arith.constant 48 : i32
    %broadcast_in_dim3A_270 = vector.broadcast %broadcast_in_dim3A_269 : i32 to vector<16xi32>
    %broadcast_in_dim3A_271 = arith.constant 49 : i32
    %broadcast_in_dim3A_272 = vector.broadcast %broadcast_in_dim3A_271 : i32 to vector<16xi32>
    %broadcast_in_dim3A_273 = arith.constant 50 : i32
    %broadcast_in_dim3A_274 = vector.broadcast %broadcast_in_dim3A_273 : i32 to vector<16xi32>
    %broadcast_in_dim3A_275 = arith.constant 51 : i32
    %broadcast_in_dim3A_276 = vector.broadcast %broadcast_in_dim3A_275 : i32 to vector<16xi32>
    %broadcast_in_dim3A_277 = arith.constant 52 : i32
    %broadcast_in_dim3A_278 = vector.broadcast %broadcast_in_dim3A_277 : i32 to vector<16xi32>
    %broadcast_in_dim3A_279 = arith.constant 53 : i32
    %broadcast_in_dim3A_280 = vector.broadcast %broadcast_in_dim3A_279 : i32 to vector<16xi32>
    %broadcast_in_dim3A_281 = arith.constant 54 : i32
    %broadcast_in_dim3A_282 = vector.broadcast %broadcast_in_dim3A_281 : i32 to vector<16xi32>
    %broadcast_in_dim3A_283 = arith.constant 55 : i32
    %broadcast_in_dim3A_284 = vector.broadcast %broadcast_in_dim3A_283 : i32 to vector<16xi32>
    %broadcast_in_dim3A_285 = arith.constant 56 : i32
    %broadcast_in_dim3A_286 = vector.broadcast %broadcast_in_dim3A_285 : i32 to vector<16xi32>
    %broadcast_in_dim3A_287 = arith.constant 57 : i32
    %broadcast_in_dim3A_288 = vector.broadcast %broadcast_in_dim3A_287 : i32 to vector<16xi32>
    %broadcast_in_dim3A_289 = arith.constant 58 : i32
    %broadcast_in_dim3A_290 = vector.broadcast %broadcast_in_dim3A_289 : i32 to vector<16xi32>
    %broadcast_in_dim3A_291 = arith.constant 59 : i32
    %broadcast_in_dim3A_292 = vector.broadcast %broadcast_in_dim3A_291 : i32 to vector<16xi32>
    %broadcast_in_dim3A_293 = arith.constant 60 : i32
    %broadcast_in_dim3A_294 = vector.broadcast %broadcast_in_dim3A_293 : i32 to vector<16xi32>
    %broadcast_in_dim3A_295 = arith.constant 61 : i32
    %broadcast_in_dim3A_296 = vector.broadcast %broadcast_in_dim3A_295 : i32 to vector<16xi32>
    %broadcast_in_dim3A_297 = arith.constant 62 : i32
    %broadcast_in_dim3A_298 = vector.broadcast %broadcast_in_dim3A_297 : i32 to vector<16xi32>
    %broadcast_in_dim3A_299 = arith.constant 63 : i32
    %broadcast_in_dim3A_300 = vector.broadcast %broadcast_in_dim3A_299 : i32 to vector<16xi32>
    %scan3A = arith.constant 0 : i32
    %scan3A_301 = arith.constant 0 : i32
    %scan3A_302 = arith.constant 32 : i32
    %scan3A_303 = arith.addi %scan3A_301, %scan3A_302 : i32
    %scan3A_304 = arith.constant 1 : i32
    scf.for %scan3A_306 = %scan3A_301 to %scan3A_303 step %scan3A_304  : i32 {
      %mul3A_307 = arith.constant 16 : i32
      %mul3A_308 = arith.muli %scan3A_306, %mul3A_307 : i32
      %add3A_309 = vector.broadcast %mul3A_308 : i32 to vector<16xi32>
      %add3A_310 = arith.addi %add3A_309, %iota3A : vector<16xi32>
      %gather3A = tpu.vector_load_idx %arg11[%add3A_310, %broadcast_in_dim3A_174] : memref<512x64xf32, #tpu.memory_space<vmem>>[vector<16xi32>, vector<16xi32>], vector<16xf32>,
      %gather3A_311 = tpu.vector_load_idx %arg12[%add3A_310, %broadcast_in_dim3A_174] : memref<512x64xf32, #tpu.memory_space<vmem>>[vector<16xi32>, vector<16xi32>], vector<16xf32>,
      %mul3A_312 = arith.mulf %gather3A, %gather3A_311 : vector<16xf32>
      %slice3A = vector.extract_strided_slice %get3A_165 {offsets = [0], sizes = [1], strides = [1]} : vector<16xf32> to vector<1xf32>
      %squeeze3A = vector.extract %slice3A[0] : f32 from vector<1xf32>
      %mul3A_313 = vector.broadcast %squeeze3A : f32 to vector<16xf32>
      %mul3A_314 = arith.mulf %mul3A_312, %mul3A_313 : vector<16xf32>
      %add3A_315 = arith.addf %get3A_173, %mul3A_314 : vector<16xf32>
      %gather3A_316 = tpu.vector_load_idx %arg11[%add3A_310, %broadcast_in_dim3A_176] : memref<512x64xf32, #tpu.memory_space<vmem>>[vector<16xi32>, vector<16xi32>], vector<16xf32>,
      %gather3A_317 = tpu.vector_load_idx %arg12[%add3A_310, %broadcast_in_dim3A_176] : memref<512x64xf32, #tpu.memory_space<vmem>>[vector<16xi32>, vector<16xi32>], vector<16xf32>,
      %mul3A_318 = arith.mulf %gather3A_316, %gather3A_317 : vector<16xf32>
      %slice3A_319 = vector.extract_strided_slice %get3A_165 {offsets = [1], sizes = [1], strides = [1]} : vector<16xf32> to vector<1xf32>
      %squeeze3A_320 = vector.extract %slice3A_319[0] : f32 from vector<1xf32>
      %mul3A_321 = vector.broadcast %squeeze3A_320 : f32 to vector<16xf32>
      %mul3A_322 = arith.mulf %mul3A_318, %mul3A_321 : vector<16xf32>
      %add3A_323 = arith.addf %add3A_315, %mul3A_322 : vector<16xf32>
      %gather3A_324 = tpu.vector_load_idx %arg11[%add3A_310, %broadcast_in_dim3A_178] : memref<512x64xf32, #tpu.memory_space<vmem>>[vector<16xi32>, vector<16xi32>], vector<16xf32>,
      %gather3A_325 = tpu.vector_load_idx %arg12[%add3A_310, %broadcast_in_dim3A_178] : memref<512x64xf32, #tpu.memory_space<vmem>>[vector<16xi32>, vector<16xi32>], vector<16xf32>,
      %mul3A_326 = arith.mulf %gather3A_324, %gather3A_325 : vector<16xf32>
      %slice3A_327 = vector.extract_strided_slice %get3A_165 {offsets = [2], sizes = [1], strides = [1]} : vector<16xf32> to vector<1xf32>
      %squeeze3A_328 = vector.extract %slice3A_327[0] : f32 from vector<1xf32>
      %mul3A_329 = vector.broadcast %squeeze3A_328 : f32 to vector<16xf32>
      %mul3A_330 = arith.mulf %mul3A_326, %mul3A_329 : vector<16xf32>
      %add3A_331 = arith.addf %add3A_323, %mul3A_330 : vector<16xf32>
      %gather3A_332 = tpu.vector_load_idx %arg11[%add3A_310, %broadcast_in_dim3A_180] : memref<512x64xf32, #tpu.memory_space<vmem>>[vector<16xi32>, vector<16xi32>], vector<16xf32>,
      %gather3A_333 = tpu.vector_load_idx %arg12[%add3A_310, %broadcast_in_dim3A_180] : memref<512x64xf32, #tpu.memory_space<vmem>>[vector<16xi32>, vector<16xi32>], vector<16xf32>,
      %mul3A_334 = arith.mulf %gather3A_332, %gather3A_333 : vector<16xf32>
      %slice3A_335 = vector.extract_strided_slice %get3A_165 {offsets = [3], sizes = [1], strides = [1]} : vector<16xf32> to vector<1xf32>
      %squeeze3A_336 = vector.extract %slice3A_335[0] : f32 from vector<1xf32>
      %mul3A_337 = vector.broadcast %squeeze3A_336 : f32 to vector<16xf32>
      %mul3A_338 = arith.mulf %mul3A_334, %mul3A_337 : vector<16xf32>
      %add3A_339 = arith.addf %add3A_331, %mul3A_338 : vector<16xf32>
      %gather3A_340 = tpu.vector_load_idx %arg11[%add3A_310, %broadcast_in_dim3A_182] : memref<512x64xf32, #tpu.memory_space<vmem>>[vector<16xi32>, vector<16xi32>], vector<16xf32>,
      %gather3A_341 = tpu.vector_load_idx %arg12[%add3A_310, %broadcast_in_dim3A_182] : memref<512x64xf32, #tpu.memory_space<vmem>>[vector<16xi32>, vector<16xi32>], vector<16xf32>,
      %mul3A_342 = arith.mulf %gather3A_340, %gather3A_341 : vector<16xf32>
      %slice3A_343 = vector.extract_strided_slice %get3A_165 {offsets = [4], sizes = [1], strides = [1]} : vector<16xf32> to vector<1xf32>
      %squeeze3A_344 = vector.extract %slice3A_343[0] : f32 from vector<1xf32>
      %mul3A_345 = vector.broadcast %squeeze3A_344 : f32 to vector<16xf32>
      %mul3A_346 = arith.mulf %mul3A_342, %mul3A_345 : vector<16xf32>
      %add3A_347 = arith.addf %add3A_339, %mul3A_346 : vector<16xf32>
      %gather3A_348 = tpu.vector_load_idx %arg11[%add3A_310, %broadcast_in_dim3A_184] : memref<512x64xf32, #tpu.memory_space<vmem>>[vector<16xi32>, vector<16xi32>], vector<16xf32>,
      %gather3A_349 = tpu.vector_load_idx %arg12[%add3A_310, %broadcast_in_dim3A_184] : memref<512x64xf32, #tpu.memory_space<vmem>>[vector<16xi32>, vector<16xi32>], vector<16xf32>,
      %mul3A_350 = arith.mulf %gather3A_348, %gather3A_349 : vector<16xf32>
      %slice3A_351 = vector.extract_strided_slice %get3A_165 {offsets = [5], sizes = [1], strides = [1]} : vector<16xf32> to vector<1xf32>
      %squeeze3A_352 = vector.extract %slice3A_351[0] : f32 from vector<1xf32>
      %mul3A_353 = vector.broadcast %squeeze3A_352 : f32 to vector<16xf32>
      %mul3A_354 = arith.mulf %mul3A_350, %mul3A_353 : vector<16xf32>
      %add3A_355 = arith.addf %add3A_347, %mul3A_354 : vector<16xf32>
      %gather3A_356 = tpu.vector_load_idx %arg11[%add3A_310, %broadcast_in_dim3A_186] : memref<512x64xf32, #tpu.memory_space<vmem>>[vector<16xi32>, vector<16xi32>], vector<16xf32>,
      %gather3A_357 = tpu.vector_load_idx %arg12[%add3A_310, %broadcast_in_dim3A_186] : memref<512x64xf32, #tpu.memory_space<vmem>>[vector<16xi32>, vector<16xi32>], vector<16xf32>,
      %mul3A_358 = arith.mulf %gather3A_356, %gather3A_357 : vector<16xf32>
      %slice3A_359 = vector.extract_strided_slice %get3A_165 {offsets = [6], sizes = [1], strides = [1]} : vector<16xf32> to vector<1xf32>
      %squeeze3A_360 = vector.extract %slice3A_359[0] : f32 from vector<1xf32>
      %mul3A_361 = vector.broadcast %squeeze3A_360 : f32 to vector<16xf32>
      %mul3A_362 = arith.mulf %mul3A_358, %mul3A_361 : vector<16xf32>
      %add3A_363 = arith.addf %add3A_355, %mul3A_362 : vector<16xf32>
      %gather3A_364 = tpu.vector_load_idx %arg11[%add3A_310, %broadcast_in_dim3A_188] : memref<512x64xf32, #tpu.memory_space<vmem>>[vector<16xi32>, vector<16xi32>], vector<16xf32>,
      %gather3A_365 = tpu.vector_load_idx %arg12[%add3A_310, %broadcast_in_dim3A_188] : memref<512x64xf32, #tpu.memory_space<vmem>>[vector<16xi32>, vector<16xi32>], vector<16xf32>,
      %mul3A_366 = arith.mulf %gather3A_364, %gather3A_365 : vector<16xf32>
      %slice3A_367 = vector.extract_strided_slice %get3A_165 {offsets = [7], sizes = [1], strides = [1]} : vector<16xf32> to vector<1xf32>
      %squeeze3A_368 = vector.extract %slice3A_367[0] : f32 from vector<1xf32>
      %mul3A_369 = vector.broadcast %squeeze3A_368 : f32 to vector<16xf32>
      %mul3A_370 = arith.mulf %mul3A_366, %mul3A_369 : vector<16xf32>
      %add3A_371 = arith.addf %add3A_363, %mul3A_370 : vector<16xf32>
      %gather3A_372 = tpu.vector_load_idx %arg11[%add3A_310, %broadcast_in_dim3A_190] : memref<512x64xf32, #tpu.memory_space<vmem>>[vector<16xi32>, vector<16xi32>], vector<16xf32>,
      %gather3A_373 = tpu.vector_load_idx %arg12[%add3A_310, %broadcast_in_dim3A_190] : memref<512x64xf32, #tpu.memory_space<vmem>>[vector<16xi32>, vector<16xi32>], vector<16xf32>,
      %mul3A_374 = arith.mulf %gather3A_372, %gather3A_373 : vector<16xf32>
      %slice3A_375 = vector.extract_strided_slice %get3A_165 {offsets = [8], sizes = [1], strides = [1]} : vector<16xf32> to vector<1xf32>
      %squeeze3A_376 = vector.extract %slice3A_375[0] : f32 from vector<1xf32>
      %mul3A_377 = vector.broadcast %squeeze3A_376 : f32 to vector<16xf32>
      %mul3A_378 = arith.mulf %mul3A_374, %mul3A_377 : vector<16xf32>
      %add3A_379 = arith.addf %add3A_371, %mul3A_378 : vector<16xf32>
      %gather3A_380 = tpu.vector_load_idx %arg11[%add3A_310, %broadcast_in_dim3A_192] : memref<512x64xf32, #tpu.memory_space<vmem>>[vector<16xi32>, vector<16xi32>], vector<16xf32>,
      %gather3A_381 = tpu.vector_load_idx %arg12[%add3A_310, %broadcast_in_dim3A_192] : memref<512x64xf32, #tpu.memory_space<vmem>>[vector<16xi32>, vector<16xi32>], vector<16xf32>,
      %mul3A_382 = arith.mulf %gather3A_380, %gather3A_381 : vector<16xf32>
      %slice3A_383 = vector.extract_strided_slice %get3A_165 {offsets = [9], sizes = [1], strides = [1]} : vector<16xf32> to vector<1xf32>
      %squeeze3A_384 = vector.extract %slice3A_383[0] : f32 from vector<1xf32>
      %mul3A_385 = vector.broadcast %squeeze3A_384 : f32 to vector<16xf32>
      %mul3A_386 = arith.mulf %mul3A_382, %mul3A_385 : vector<16xf32>
      %add3A_387 = arith.addf %add3A_379, %mul3A_386 : vector<16xf32>
      %gather3A_388 = tpu.vector_load_idx %arg11[%add3A_310, %broadcast_in_dim3A_194] : memref<512x64xf32, #tpu.memory_space<vmem>>[vector<16xi32>, vector<16xi32>], vector<16xf32>,
      %gather3A_389 = tpu.vector_load_idx %arg12[%add3A_310, %broadcast_in_dim3A_194] : memref<512x64xf32, #tpu.memory_space<vmem>>[vector<16xi32>, vector<16xi32>], vector<16xf32>,
      %mul3A_390 = arith.mulf %gather3A_388, %gather3A_389 : vector<16xf32>
      %slice3A_391 = vector.extract_strided_slice %get3A_165 {offsets = [10], sizes = [1], strides = [1]} : vector<16xf32> to vector<1xf32>
      %squeeze3A_392 = vector.extract %slice3A_391[0] : f32 from vector<1xf32>
      %mul3A_393 = vector.broadcast %squeeze3A_392 : f32 to vector<16xf32>
      %mul3A_394 = arith.mulf %mul3A_390, %mul3A_393 : vector<16xf32>
      %add3A_395 = arith.addf %add3A_387, %mul3A_394 : vector<16xf32>
      %gather3A_396 = tpu.vector_load_idx %arg11[%add3A_310, %broadcast_in_dim3A_196] : memref<512x64xf32, #tpu.memory_space<vmem>>[vector<16xi32>, vector<16xi32>], vector<16xf32>,
      %gather3A_397 = tpu.vector_load_idx %arg12[%add3A_310, %broadcast_in_dim3A_196] : memref<512x64xf32, #tpu.memory_space<vmem>>[vector<16xi32>, vector<16xi32>], vector<16xf32>,
      %mul3A_398 = arith.mulf %gather3A_396, %gather3A_397 : vector<16xf32>
      %slice3A_399 = vector.extract_strided_slice %get3A_165 {offsets = [11], sizes = [1], strides = [1]} : vector<16xf32> to vector<1xf32>
      %squeeze3A_400 = vector.extract %slice3A_399[0] : f32 from vector<1xf32>
      %mul3A_401 = vector.broadcast %squeeze3A_400 : f32 to vector<16xf32>
      %mul3A_402 = arith.mulf %mul3A_398, %mul3A_401 : vector<16xf32>
      %add3A_403 = arith.addf %add3A_395, %mul3A_402 : vector<16xf32>
      %gather3A_404 = tpu.vector_load_idx %arg11[%add3A_310, %broadcast_in_dim3A_198] : memref<512x64xf32, #tpu.memory_space<vmem>>[vector<16xi32>, vector<16xi32>], vector<16xf32>,
      %gather3A_405 = tpu.vector_load_idx %arg12[%add3A_310, %broadcast_in_dim3A_198] : memref<512x64xf32, #tpu.memory_space<vmem>>[vector<16xi32>, vector<16xi32>], vector<16xf32>,
      %mul3A_406 = arith.mulf %gather3A_404, %gather3A_405 : vector<16xf32>
      %slice3A_407 = vector.extract_strided_slice %get3A_165 {offsets = [12], sizes = [1], strides = [1]} : vector<16xf32> to vector<1xf32>
      %squeeze3A_408 = vector.extract %slice3A_407[0] : f32 from vector<1xf32>
      %mul3A_409 = vector.broadcast %squeeze3A_408 : f32 to vector<16xf32>
      %mul3A_410 = arith.mulf %mul3A_406, %mul3A_409 : vector<16xf32>
      %add3A_411 = arith.addf %add3A_403, %mul3A_410 : vector<16xf32>
      %gather3A_412 = tpu.vector_load_idx %arg11[%add3A_310, %broadcast_in_dim3A_200] : memref<512x64xf32, #tpu.memory_space<vmem>>[vector<16xi32>, vector<16xi32>], vector<16xf32>,
      %gather3A_413 = tpu.vector_load_idx %arg12[%add3A_310, %broadcast_in_dim3A_200] : memref<512x64xf32, #tpu.memory_space<vmem>>[vector<16xi32>, vector<16xi32>], vector<16xf32>,
      %mul3A_414 = arith.mulf %gather3A_412, %gather3A_413 : vector<16xf32>
      %slice3A_415 = vector.extract_strided_slice %get3A_165 {offsets = [13], sizes = [1], strides = [1]} : vector<16xf32> to vector<1xf32>
      %squeeze3A_416 = vector.extract %slice3A_415[0] : f32 from vector<1xf32>
      %mul3A_417 = vector.broadcast %squeeze3A_416 : f32 to vector<16xf32>
      %mul3A_418 = arith.mulf %mul3A_414, %mul3A_417 : vector<16xf32>
      %add3A_419 = arith.addf %add3A_411, %mul3A_418 : vector<16xf32>
      %gather3A_420 = tpu.vector_load_idx %arg11[%add3A_310, %broadcast_in_dim3A_202] : memref<512x64xf32, #tpu.memory_space<vmem>>[vector<16xi32>, vector<16xi32>], vector<16xf32>,
      %gather3A_421 = tpu.vector_load_idx %arg12[%add3A_310, %broadcast_in_dim3A_202] : memref<512x64xf32, #tpu.memory_space<vmem>>[vector<16xi32>, vector<16xi32>], vector<16xf32>,
      %mul3A_422 = arith.mulf %gather3A_420, %gather3A_421 : vector<16xf32>
      %slice3A_423 = vector.extract_strided_slice %get3A_165 {offsets = [14], sizes = [1], strides = [1]} : vector<16xf32> to vector<1xf32>
      %squeeze3A_424 = vector.extract %slice3A_423[0] : f32 from vector<1xf32>
      %mul3A_425 = vector.broadcast %squeeze3A_424 : f32 to vector<16xf32>
      %mul3A_426 = arith.mulf %mul3A_422, %mul3A_425 : vector<16xf32>
      %add3A_427 = arith.addf %add3A_419, %mul3A_426 : vector<16xf32>
      %gather3A_428 = tpu.vector_load_idx %arg11[%add3A_310, %broadcast_in_dim3A_204] : memref<512x64xf32, #tpu.memory_space<vmem>>[vector<16xi32>, vector<16xi32>], vector<16xf32>,
      %gather3A_429 = tpu.vector_load_idx %arg12[%add3A_310, %broadcast_in_dim3A_204] : memref<512x64xf32, #tpu.memory_space<vmem>>[vector<16xi32>, vector<16xi32>], vector<16xf32>,
      %mul3A_430 = arith.mulf %gather3A_428, %gather3A_429 : vector<16xf32>
      %slice3A_431 = vector.extract_strided_slice %get3A_165 {offsets = [15], sizes = [1], strides = [1]} : vector<16xf32> to vector<1xf32>
      %squeeze3A_432 = vector.extract %slice3A_431[0] : f32 from vector<1xf32>
      %mul3A_433 = vector.broadcast %squeeze3A_432 : f32 to vector<16xf32>
      %mul3A_434 = arith.mulf %mul3A_430, %mul3A_433 : vector<16xf32>
      %add3A_435 = arith.addf %add3A_427, %mul3A_434 : vector<16xf32>
      %gather3A_436 = tpu.vector_load_idx %arg11[%add3A_310, %broadcast_in_dim3A_206] : memref<512x64xf32, #tpu.memory_space<vmem>>[vector<16xi32>, vector<16xi32>], vector<16xf32>,
      %gather3A_437 = tpu.vector_load_idx %arg12[%add3A_310, %broadcast_in_dim3A_206] : memref<512x64xf32, #tpu.memory_space<vmem>>[vector<16xi32>, vector<16xi32>], vector<16xf32>,
      %mul3A_438 = arith.mulf %gather3A_436, %gather3A_437 : vector<16xf32>
      %slice3A_439 = vector.extract_strided_slice %get3A_167 {offsets = [0], sizes = [1], strides = [1]} : vector<16xf32> to vector<1xf32>
      %squeeze3A_440 = vector.extract %slice3A_439[0] : f32 from vector<1xf32>
      %mul3A_441 = vector.broadcast %squeeze3A_440 : f32 to vector<16xf32>
      %mul3A_442 = arith.mulf %mul3A_438, %mul3A_441 : vector<16xf32>
      %add3A_443 = arith.addf %add3A_435, %mul3A_442 : vector<16xf32>
      %gather3A_444 = tpu.vector_load_idx %arg11[%add3A_310, %broadcast_in_dim3A_208] : memref<512x64xf32, #tpu.memory_space<vmem>>[vector<16xi32>, vector<16xi32>], vector<16xf32>,
      %gather3A_445 = tpu.vector_load_idx %arg12[%add3A_310, %broadcast_in_dim3A_208] : memref<512x64xf32, #tpu.memory_space<vmem>>[vector<16xi32>, vector<16xi32>], vector<16xf32>,
      %mul3A_446 = arith.mulf %gather3A_444, %gather3A_445 : vector<16xf32>
      %slice3A_447 = vector.extract_strided_slice %get3A_167 {offsets = [1], sizes = [1], strides = [1]} : vector<16xf32> to vector<1xf32>
      %squeeze3A_448 = vector.extract %slice3A_447[0] : f32 from vector<1xf32>
      %mul3A_449 = vector.broadcast %squeeze3A_448 : f32 to vector<16xf32>
      %mul3A_450 = arith.mulf %mul3A_446, %mul3A_449 : vector<16xf32>
      %add3A_451 = arith.addf %add3A_443, %mul3A_450 : vector<16xf32>
      %gather3A_452 = tpu.vector_load_idx %arg11[%add3A_310, %broadcast_in_dim3A_210] : memref<512x64xf32, #tpu.memory_space<vmem>>[vector<16xi32>, vector<16xi32>], vector<16xf32>,
      %gather3A_453 = tpu.vector_load_idx %arg12[%add3A_310, %broadcast_in_dim3A_210] : memref<512x64xf32, #tpu.memory_space<vmem>>[vector<16xi32>, vector<16xi32>], vector<16xf32>,
      %mul3A_454 = arith.mulf %gather3A_452, %gather3A_453 : vector<16xf32>
      %slice3A_455 = vector.extract_strided_slice %get3A_167 {offsets = [2], sizes = [1], strides = [1]} : vector<16xf32> to vector<1xf32>
      %squeeze3A_456 = vector.extract %slice3A_455[0] : f32 from vector<1xf32>
      %mul3A_457 = vector.broadcast %squeeze3A_456 : f32 to vector<16xf32>
      %mul3A_458 = arith.mulf %mul3A_454, %mul3A_457 : vector<16xf32>
      %add3A_459 = arith.addf %add3A_451, %mul3A_458 : vector<16xf32>
      %gather3A_460 = tpu.vector_load_idx %arg11[%add3A_310, %broadcast_in_dim3A_212] : memref<512x64xf32, #tpu.memory_space<vmem>>[vector<16xi32>, vector<16xi32>], vector<16xf32>,
      %gather3A_461 = tpu.vector_load_idx %arg12[%add3A_310, %broadcast_in_dim3A_212] : memref<512x64xf32, #tpu.memory_space<vmem>>[vector<16xi32>, vector<16xi32>], vector<16xf32>,
      %mul3A_462 = arith.mulf %gather3A_460, %gather3A_461 : vector<16xf32>
      %slice3A_463 = vector.extract_strided_slice %get3A_167 {offsets = [3], sizes = [1], strides = [1]} : vector<16xf32> to vector<1xf32>
      %squeeze3A_464 = vector.extract %slice3A_463[0] : f32 from vector<1xf32>
      %mul3A_465 = vector.broadcast %squeeze3A_464 : f32 to vector<16xf32>
      %mul3A_466 = arith.mulf %mul3A_462, %mul3A_465 : vector<16xf32>
      %add3A_467 = arith.addf %add3A_459, %mul3A_466 : vector<16xf32>
      %gather3A_468 = tpu.vector_load_idx %arg11[%add3A_310, %broadcast_in_dim3A_214] : memref<512x64xf32, #tpu.memory_space<vmem>>[vector<16xi32>, vector<16xi32>], vector<16xf32>,
      %gather3A_469 = tpu.vector_load_idx %arg12[%add3A_310, %broadcast_in_dim3A_214] : memref<512x64xf32, #tpu.memory_space<vmem>>[vector<16xi32>, vector<16xi32>], vector<16xf32>,
      %mul3A_470 = arith.mulf %gather3A_468, %gather3A_469 : vector<16xf32>
      %slice3A_471 = vector.extract_strided_slice %get3A_167 {offsets = [4], sizes = [1], strides = [1]} : vector<16xf32> to vector<1xf32>
      %squeeze3A_472 = vector.extract %slice3A_471[0] : f32 from vector<1xf32>
      %mul3A_473 = vector.broadcast %squeeze3A_472 : f32 to vector<16xf32>
      %mul3A_474 = arith.mulf %mul3A_470, %mul3A_473 : vector<16xf32>
      %add3A_475 = arith.addf %add3A_467, %mul3A_474 : vector<16xf32>
      %gather3A_476 = tpu.vector_load_idx %arg11[%add3A_310, %broadcast_in_dim3A_216] : memref<512x64xf32, #tpu.memory_space<vmem>>[vector<16xi32>, vector<16xi32>], vector<16xf32>,
      %gather3A_477 = tpu.vector_load_idx %arg12[%add3A_310, %broadcast_in_dim3A_216] : memref<512x64xf32, #tpu.memory_space<vmem>>[vector<16xi32>, vector<16xi32>], vector<16xf32>,
      %mul3A_478 = arith.mulf %gather3A_476, %gather3A_477 : vector<16xf32>
      %slice3A_479 = vector.extract_strided_slice %get3A_167 {offsets = [5], sizes = [1], strides = [1]} : vector<16xf32> to vector<1xf32>
      %squeeze3A_480 = vector.extract %slice3A_479[0] : f32 from vector<1xf32>
      %mul3A_481 = vector.broadcast %squeeze3A_480 : f32 to vector<16xf32>
      %mul3A_482 = arith.mulf %mul3A_478, %mul3A_481 : vector<16xf32>
      %add3A_483 = arith.addf %add3A_475, %mul3A_482 : vector<16xf32>
      %gather3A_484 = tpu.vector_load_idx %arg11[%add3A_310, %broadcast_in_dim3A_218] : memref<512x64xf32, #tpu.memory_space<vmem>>[vector<16xi32>, vector<16xi32>], vector<16xf32>,
      %gather3A_485 = tpu.vector_load_idx %arg12[%add3A_310, %broadcast_in_dim3A_218] : memref<512x64xf32, #tpu.memory_space<vmem>>[vector<16xi32>, vector<16xi32>], vector<16xf32>,
      %mul3A_486 = arith.mulf %gather3A_484, %gather3A_485 : vector<16xf32>
      %slice3A_487 = vector.extract_strided_slice %get3A_167 {offsets = [6], sizes = [1], strides = [1]} : vector<16xf32> to vector<1xf32>
      %squeeze3A_488 = vector.extract %slice3A_487[0] : f32 from vector<1xf32>
      %mul3A_489 = vector.broadcast %squeeze3A_488 : f32 to vector<16xf32>
      %mul3A_490 = arith.mulf %mul3A_486, %mul3A_489 : vector<16xf32>
      %add3A_491 = arith.addf %add3A_483, %mul3A_490 : vector<16xf32>
      %gather3A_492 = tpu.vector_load_idx %arg11[%add3A_310, %broadcast_in_dim3A_220] : memref<512x64xf32, #tpu.memory_space<vmem>>[vector<16xi32>, vector<16xi32>], vector<16xf32>,
      %gather3A_493 = tpu.vector_load_idx %arg12[%add3A_310, %broadcast_in_dim3A_220] : memref<512x64xf32, #tpu.memory_space<vmem>>[vector<16xi32>, vector<16xi32>], vector<16xf32>,
      %mul3A_494 = arith.mulf %gather3A_492, %gather3A_493 : vector<16xf32>
      %slice3A_495 = vector.extract_strided_slice %get3A_167 {offsets = [7], sizes = [1], strides = [1]} : vector<16xf32> to vector<1xf32>
      %squeeze3A_496 = vector.extract %slice3A_495[0] : f32 from vector<1xf32>
      %mul3A_497 = vector.broadcast %squeeze3A_496 : f32 to vector<16xf32>
      %mul3A_498 = arith.mulf %mul3A_494, %mul3A_497 : vector<16xf32>
      %add3A_499 = arith.addf %add3A_491, %mul3A_498 : vector<16xf32>
      %gather3A_500 = tpu.vector_load_idx %arg11[%add3A_310, %broadcast_in_dim3A_222] : memref<512x64xf32, #tpu.memory_space<vmem>>[vector<16xi32>, vector<16xi32>], vector<16xf32>,
      %gather3A_501 = tpu.vector_load_idx %arg12[%add3A_310, %broadcast_in_dim3A_222] : memref<512x64xf32, #tpu.memory_space<vmem>>[vector<16xi32>, vector<16xi32>], vector<16xf32>,
      %mul3A_502 = arith.mulf %gather3A_500, %gather3A_501 : vector<16xf32>
      %slice3A_503 = vector.extract_strided_slice %get3A_167 {offsets = [8], sizes = [1], strides = [1]} : vector<16xf32> to vector<1xf32>
      %squeeze3A_504 = vector.extract %slice3A_503[0] : f32 from vector<1xf32>
      %mul3A_505 = vector.broadcast %squeeze3A_504 : f32 to vector<16xf32>
      %mul3A_506 = arith.mulf %mul3A_502, %mul3A_505 : vector<16xf32>
      %add3A_507 = arith.addf %add3A_499, %mul3A_506 : vector<16xf32>
      %gather3A_508 = tpu.vector_load_idx %arg11[%add3A_310, %broadcast_in_dim3A_224] : memref<512x64xf32, #tpu.memory_space<vmem>>[vector<16xi32>, vector<16xi32>], vector<16xf32>,
      %gather3A_509 = tpu.vector_load_idx %arg12[%add3A_310, %broadcast_in_dim3A_224] : memref<512x64xf32, #tpu.memory_space<vmem>>[vector<16xi32>, vector<16xi32>], vector<16xf32>,
      %mul3A_510 = arith.mulf %gather3A_508, %gather3A_509 : vector<16xf32>
      %slice3A_511 = vector.extract_strided_slice %get3A_167 {offsets = [9], sizes = [1], strides = [1]} : vector<16xf32> to vector<1xf32>
      %squeeze3A_512 = vector.extract %slice3A_511[0] : f32 from vector<1xf32>
      %mul3A_513 = vector.broadcast %squeeze3A_512 : f32 to vector<16xf32>
      %mul3A_514 = arith.mulf %mul3A_510, %mul3A_513 : vector<16xf32>
      %add3A_515 = arith.addf %add3A_507, %mul3A_514 : vector<16xf32>
      %gather3A_516 = tpu.vector_load_idx %arg11[%add3A_310, %broadcast_in_dim3A_226] : memref<512x64xf32, #tpu.memory_space<vmem>>[vector<16xi32>, vector<16xi32>], vector<16xf32>,
      %gather3A_517 = tpu.vector_load_idx %arg12[%add3A_310, %broadcast_in_dim3A_226] : memref<512x64xf32, #tpu.memory_space<vmem>>[vector<16xi32>, vector<16xi32>], vector<16xf32>,
      %mul3A_518 = arith.mulf %gather3A_516, %gather3A_517 : vector<16xf32>
      %slice3A_519 = vector.extract_strided_slice %get3A_167 {offsets = [10], sizes = [1], strides = [1]} : vector<16xf32> to vector<1xf32>
      %squeeze3A_520 = vector.extract %slice3A_519[0] : f32 from vector<1xf32>
      %mul3A_521 = vector.broadcast %squeeze3A_520 : f32 to vector<16xf32>
      %mul3A_522 = arith.mulf %mul3A_518, %mul3A_521 : vector<16xf32>
      %add3A_523 = arith.addf %add3A_515, %mul3A_522 : vector<16xf32>
      %gather3A_524 = tpu.vector_load_idx %arg11[%add3A_310, %broadcast_in_dim3A_228] : memref<512x64xf32, #tpu.memory_space<vmem>>[vector<16xi32>, vector<16xi32>], vector<16xf32>,
      %gather3A_525 = tpu.vector_load_idx %arg12[%add3A_310, %broadcast_in_dim3A_228] : memref<512x64xf32, #tpu.memory_space<vmem>>[vector<16xi32>, vector<16xi32>], vector<16xf32>,
      %mul3A_526 = arith.mulf %gather3A_524, %gather3A_525 : vector<16xf32>
      %slice3A_527 = vector.extract_strided_slice %get3A_167 {offsets = [11], sizes = [1], strides = [1]} : vector<16xf32> to vector<1xf32>
      %squeeze3A_528 = vector.extract %slice3A_527[0] : f32 from vector<1xf32>
      %mul3A_529 = vector.broadcast %squeeze3A_528 : f32 to vector<16xf32>
      %mul3A_530 = arith.mulf %mul3A_526, %mul3A_529 : vector<16xf32>
      %add3A_531 = arith.addf %add3A_523, %mul3A_530 : vector<16xf32>
      %gather3A_532 = tpu.vector_load_idx %arg11[%add3A_310, %broadcast_in_dim3A_230] : memref<512x64xf32, #tpu.memory_space<vmem>>[vector<16xi32>, vector<16xi32>], vector<16xf32>,
      %gather3A_533 = tpu.vector_load_idx %arg12[%add3A_310, %broadcast_in_dim3A_230] : memref<512x64xf32, #tpu.memory_space<vmem>>[vector<16xi32>, vector<16xi32>], vector<16xf32>,
      %mul3A_534 = arith.mulf %gather3A_532, %gather3A_533 : vector<16xf32>
      %slice3A_535 = vector.extract_strided_slice %get3A_167 {offsets = [12], sizes = [1], strides = [1]} : vector<16xf32> to vector<1xf32>
      %squeeze3A_536 = vector.extract %slice3A_535[0] : f32 from vector<1xf32>
      %mul3A_537 = vector.broadcast %squeeze3A_536 : f32 to vector<16xf32>
      %mul3A_538 = arith.mulf %mul3A_534, %mul3A_537 : vector<16xf32>
      %add3A_539 = arith.addf %add3A_531, %mul3A_538 : vector<16xf32>
      %gather3A_540 = tpu.vector_load_idx %arg11[%add3A_310, %broadcast_in_dim3A_232] : memref<512x64xf32, #tpu.memory_space<vmem>>[vector<16xi32>, vector<16xi32>], vector<16xf32>,
      %gather3A_541 = tpu.vector_load_idx %arg12[%add3A_310, %broadcast_in_dim3A_232] : memref<512x64xf32, #tpu.memory_space<vmem>>[vector<16xi32>, vector<16xi32>], vector<16xf32>,
      %mul3A_542 = arith.mulf %gather3A_540, %gather3A_541 : vector<16xf32>
      %slice3A_543 = vector.extract_strided_slice %get3A_167 {offsets = [13], sizes = [1], strides = [1]} : vector<16xf32> to vector<1xf32>
      %squeeze3A_544 = vector.extract %slice3A_543[0] : f32 from vector<1xf32>
      %mul3A_545 = vector.broadcast %squeeze3A_544 : f32 to vector<16xf32>
      %mul3A_546 = arith.mulf %mul3A_542, %mul3A_545 : vector<16xf32>
      %add3A_547 = arith.addf %add3A_539, %mul3A_546 : vector<16xf32>
      %gather3A_548 = tpu.vector_load_idx %arg11[%add3A_310, %broadcast_in_dim3A_234] : memref<512x64xf32, #tpu.memory_space<vmem>>[vector<16xi32>, vector<16xi32>], vector<16xf32>,
      %gather3A_549 = tpu.vector_load_idx %arg12[%add3A_310, %broadcast_in_dim3A_234] : memref<512x64xf32, #tpu.memory_space<vmem>>[vector<16xi32>, vector<16xi32>], vector<16xf32>,
      %mul3A_550 = arith.mulf %gather3A_548, %gather3A_549 : vector<16xf32>
      %slice3A_551 = vector.extract_strided_slice %get3A_167 {offsets = [14], sizes = [1], strides = [1]} : vector<16xf32> to vector<1xf32>
      %squeeze3A_552 = vector.extract %slice3A_551[0] : f32 from vector<1xf32>
      %mul3A_553 = vector.broadcast %squeeze3A_552 : f32 to vector<16xf32>
      %mul3A_554 = arith.mulf %mul3A_550, %mul3A_553 : vector<16xf32>
      %add3A_555 = arith.addf %add3A_547, %mul3A_554 : vector<16xf32>
      %gather3A_556 = tpu.vector_load_idx %arg11[%add3A_310, %broadcast_in_dim3A_236] : memref<512x64xf32, #tpu.memory_space<vmem>>[vector<16xi32>, vector<16xi32>], vector<16xf32>,
      %gather3A_557 = tpu.vector_load_idx %arg12[%add3A_310, %broadcast_in_dim3A_236] : memref<512x64xf32, #tpu.memory_space<vmem>>[vector<16xi32>, vector<16xi32>], vector<16xf32>,
      %mul3A_558 = arith.mulf %gather3A_556, %gather3A_557 : vector<16xf32>
      %slice3A_559 = vector.extract_strided_slice %get3A_167 {offsets = [15], sizes = [1], strides = [1]} : vector<16xf32> to vector<1xf32>
      %squeeze3A_560 = vector.extract %slice3A_559[0] : f32 from vector<1xf32>
      %mul3A_561 = vector.broadcast %squeeze3A_560 : f32 to vector<16xf32>
      %mul3A_562 = arith.mulf %mul3A_558, %mul3A_561 : vector<16xf32>
      %add3A_563 = arith.addf %add3A_555, %mul3A_562 : vector<16xf32>
      %gather3A_564 = tpu.vector_load_idx %arg11[%add3A_310, %broadcast_in_dim3A_238] : memref<512x64xf32, #tpu.memory_space<vmem>>[vector<16xi32>, vector<16xi32>], vector<16xf32>,
      %gather3A_565 = tpu.vector_load_idx %arg12[%add3A_310, %broadcast_in_dim3A_238] : memref<512x64xf32, #tpu.memory_space<vmem>>[vector<16xi32>, vector<16xi32>], vector<16xf32>,
      %mul3A_566 = arith.mulf %gather3A_564, %gather3A_565 : vector<16xf32>
      %slice3A_567 = vector.extract_strided_slice %get3A_169 {offsets = [0], sizes = [1], strides = [1]} : vector<16xf32> to vector<1xf32>
      %squeeze3A_568 = vector.extract %slice3A_567[0] : f32 from vector<1xf32>
      %mul3A_569 = vector.broadcast %squeeze3A_568 : f32 to vector<16xf32>
      %mul3A_570 = arith.mulf %mul3A_566, %mul3A_569 : vector<16xf32>
      %add3A_571 = arith.addf %add3A_563, %mul3A_570 : vector<16xf32>
      %gather3A_572 = tpu.vector_load_idx %arg11[%add3A_310, %broadcast_in_dim3A_240] : memref<512x64xf32, #tpu.memory_space<vmem>>[vector<16xi32>, vector<16xi32>], vector<16xf32>,
      %gather3A_573 = tpu.vector_load_idx %arg12[%add3A_310, %broadcast_in_dim3A_240] : memref<512x64xf32, #tpu.memory_space<vmem>>[vector<16xi32>, vector<16xi32>], vector<16xf32>,
      %mul3A_574 = arith.mulf %gather3A_572, %gather3A_573 : vector<16xf32>
      %slice3A_575 = vector.extract_strided_slice %get3A_169 {offsets = [1], sizes = [1], strides = [1]} : vector<16xf32> to vector<1xf32>
      %squeeze3A_576 = vector.extract %slice3A_575[0] : f32 from vector<1xf32>
      %mul3A_577 = vector.broadcast %squeeze3A_576 : f32 to vector<16xf32>
      %mul3A_578 = arith.mulf %mul3A_574, %mul3A_577 : vector<16xf32>
      %add3A_579 = arith.addf %add3A_571, %mul3A_578 : vector<16xf32>
      %gather3A_580 = tpu.vector_load_idx %arg11[%add3A_310, %broadcast_in_dim3A_242] : memref<512x64xf32, #tpu.memory_space<vmem>>[vector<16xi32>, vector<16xi32>], vector<16xf32>,
      %gather3A_581 = tpu.vector_load_idx %arg12[%add3A_310, %broadcast_in_dim3A_242] : memref<512x64xf32, #tpu.memory_space<vmem>>[vector<16xi32>, vector<16xi32>], vector<16xf32>,
      %mul3A_582 = arith.mulf %gather3A_580, %gather3A_581 : vector<16xf32>
      %slice3A_583 = vector.extract_strided_slice %get3A_169 {offsets = [2], sizes = [1], strides = [1]} : vector<16xf32> to vector<1xf32>
      %squeeze3A_584 = vector.extract %slice3A_583[0] : f32 from vector<1xf32>
      %mul3A_585 = vector.broadcast %squeeze3A_584 : f32 to vector<16xf32>
      %mul3A_586 = arith.mulf %mul3A_582, %mul3A_585 : vector<16xf32>
      %add3A_587 = arith.addf %add3A_579, %mul3A_586 : vector<16xf32>
      %gather3A_588 = tpu.vector_load_idx %arg11[%add3A_310, %broadcast_in_dim3A_244] : memref<512x64xf32, #tpu.memory_space<vmem>>[vector<16xi32>, vector<16xi32>], vector<16xf32>,
      %gather3A_589 = tpu.vector_load_idx %arg12[%add3A_310, %broadcast_in_dim3A_244] : memref<512x64xf32, #tpu.memory_space<vmem>>[vector<16xi32>, vector<16xi32>], vector<16xf32>,
      %mul3A_590 = arith.mulf %gather3A_588, %gather3A_589 : vector<16xf32>
      %slice3A_591 = vector.extract_strided_slice %get3A_169 {offsets = [3], sizes = [1], strides = [1]} : vector<16xf32> to vector<1xf32>
      %squeeze3A_592 = vector.extract %slice3A_591[0] : f32 from vector<1xf32>
      %mul3A_593 = vector.broadcast %squeeze3A_592 : f32 to vector<16xf32>
      %mul3A_594 = arith.mulf %mul3A_590, %mul3A_593 : vector<16xf32>
      %add3A_595 = arith.addf %add3A_587, %mul3A_594 : vector<16xf32>
      %gather3A_596 = tpu.vector_load_idx %arg11[%add3A_310, %broadcast_in_dim3A_246] : memref<512x64xf32, #tpu.memory_space<vmem>>[vector<16xi32>, vector<16xi32>], vector<16xf32>,
      %gather3A_597 = tpu.vector_load_idx %arg12[%add3A_310, %broadcast_in_dim3A_246] : memref<512x64xf32, #tpu.memory_space<vmem>>[vector<16xi32>, vector<16xi32>], vector<16xf32>,
      %mul3A_598 = arith.mulf %gather3A_596, %gather3A_597 : vector<16xf32>
      %slice3A_599 = vector.extract_strided_slice %get3A_169 {offsets = [4], sizes = [1], strides = [1]} : vector<16xf32> to vector<1xf32>
      %squeeze3A_600 = vector.extract %slice3A_599[0] : f32 from vector<1xf32>
      %mul3A_601 = vector.broadcast %squeeze3A_600 : f32 to vector<16xf32>
      %mul3A_602 = arith.mulf %mul3A_598, %mul3A_601 : vector<16xf32>
      %add3A_603 = arith.addf %add3A_595, %mul3A_602 : vector<16xf32>
      %gather3A_604 = tpu.vector_load_idx %arg11[%add3A_310, %broadcast_in_dim3A_248] : memref<512x64xf32, #tpu.memory_space<vmem>>[vector<16xi32>, vector<16xi32>], vector<16xf32>,
      %gather3A_605 = tpu.vector_load_idx %arg12[%add3A_310, %broadcast_in_dim3A_248] : memref<512x64xf32, #tpu.memory_space<vmem>>[vector<16xi32>, vector<16xi32>], vector<16xf32>,
      %mul3A_606 = arith.mulf %gather3A_604, %gather3A_605 : vector<16xf32>
      %slice3A_607 = vector.extract_strided_slice %get3A_169 {offsets = [5], sizes = [1], strides = [1]} : vector<16xf32> to vector<1xf32>
      %squeeze3A_608 = vector.extract %slice3A_607[0] : f32 from vector<1xf32>
      %mul3A_609 = vector.broadcast %squeeze3A_608 : f32 to vector<16xf32>
      %mul3A_610 = arith.mulf %mul3A_606, %mul3A_609 : vector<16xf32>
      %add3A_611 = arith.addf %add3A_603, %mul3A_610 : vector<16xf32>
      %gather3A_612 = tpu.vector_load_idx %arg11[%add3A_310, %broadcast_in_dim3A_250] : memref<512x64xf32, #tpu.memory_space<vmem>>[vector<16xi32>, vector<16xi32>], vector<16xf32>,
      %gather3A_613 = tpu.vector_load_idx %arg12[%add3A_310, %broadcast_in_dim3A_250] : memref<512x64xf32, #tpu.memory_space<vmem>>[vector<16xi32>, vector<16xi32>], vector<16xf32>,
      %mul3A_614 = arith.mulf %gather3A_612, %gather3A_613 : vector<16xf32>
      %slice3A_615 = vector.extract_strided_slice %get3A_169 {offsets = [6], sizes = [1], strides = [1]} : vector<16xf32> to vector<1xf32>
      %squeeze3A_616 = vector.extract %slice3A_615[0] : f32 from vector<1xf32>
      %mul3A_617 = vector.broadcast %squeeze3A_616 : f32 to vector<16xf32>
      %mul3A_618 = arith.mulf %mul3A_614, %mul3A_617 : vector<16xf32>
      %add3A_619 = arith.addf %add3A_611, %mul3A_618 : vector<16xf32>
      %gather3A_620 = tpu.vector_load_idx %arg11[%add3A_310, %broadcast_in_dim3A_252] : memref<512x64xf32, #tpu.memory_space<vmem>>[vector<16xi32>, vector<16xi32>], vector<16xf32>,
      %gather3A_621 = tpu.vector_load_idx %arg12[%add3A_310, %broadcast_in_dim3A_252] : memref<512x64xf32, #tpu.memory_space<vmem>>[vector<16xi32>, vector<16xi32>], vector<16xf32>,
      %mul3A_622 = arith.mulf %gather3A_620, %gather3A_621 : vector<16xf32>
      %slice3A_623 = vector.extract_strided_slice %get3A_169 {offsets = [7], sizes = [1], strides = [1]} : vector<16xf32> to vector<1xf32>
      %squeeze3A_624 = vector.extract %slice3A_623[0] : f32 from vector<1xf32>
      %mul3A_625 = vector.broadcast %squeeze3A_624 : f32 to vector<16xf32>
      %mul3A_626 = arith.mulf %mul3A_622, %mul3A_625 : vector<16xf32>
      %add3A_627 = arith.addf %add3A_619, %mul3A_626 : vector<16xf32>
      %gather3A_628 = tpu.vector_load_idx %arg11[%add3A_310, %broadcast_in_dim3A_254] : memref<512x64xf32, #tpu.memory_space<vmem>>[vector<16xi32>, vector<16xi32>], vector<16xf32>,
      %gather3A_629 = tpu.vector_load_idx %arg12[%add3A_310, %broadcast_in_dim3A_254] : memref<512x64xf32, #tpu.memory_space<vmem>>[vector<16xi32>, vector<16xi32>], vector<16xf32>,
      %mul3A_630 = arith.mulf %gather3A_628, %gather3A_629 : vector<16xf32>
      %slice3A_631 = vector.extract_strided_slice %get3A_169 {offsets = [8], sizes = [1], strides = [1]} : vector<16xf32> to vector<1xf32>
      %squeeze3A_632 = vector.extract %slice3A_631[0] : f32 from vector<1xf32>
      %mul3A_633 = vector.broadcast %squeeze3A_632 : f32 to vector<16xf32>
      %mul3A_634 = arith.mulf %mul3A_630, %mul3A_633 : vector<16xf32>
      %add3A_635 = arith.addf %add3A_627, %mul3A_634 : vector<16xf32>
      %gather3A_636 = tpu.vector_load_idx %arg11[%add3A_310, %broadcast_in_dim3A_256] : memref<512x64xf32, #tpu.memory_space<vmem>>[vector<16xi32>, vector<16xi32>], vector<16xf32>,
      %gather3A_637 = tpu.vector_load_idx %arg12[%add3A_310, %broadcast_in_dim3A_256] : memref<512x64xf32, #tpu.memory_space<vmem>>[vector<16xi32>, vector<16xi32>], vector<16xf32>,
      %mul3A_638 = arith.mulf %gather3A_636, %gather3A_637 : vector<16xf32>
      %slice3A_639 = vector.extract_strided_slice %get3A_169 {offsets = [9], sizes = [1], strides = [1]} : vector<16xf32> to vector<1xf32>
      %squeeze3A_640 = vector.extract %slice3A_639[0] : f32 from vector<1xf32>
      %mul3A_641 = vector.broadcast %squeeze3A_640 : f32 to vector<16xf32>
      %mul3A_642 = arith.mulf %mul3A_638, %mul3A_641 : vector<16xf32>
      %add3A_643 = arith.addf %add3A_635, %mul3A_642 : vector<16xf32>
      %gather3A_644 = tpu.vector_load_idx %arg11[%add3A_310, %broadcast_in_dim3A_258] : memref<512x64xf32, #tpu.memory_space<vmem>>[vector<16xi32>, vector<16xi32>], vector<16xf32>,
      %gather3A_645 = tpu.vector_load_idx %arg12[%add3A_310, %broadcast_in_dim3A_258] : memref<512x64xf32, #tpu.memory_space<vmem>>[vector<16xi32>, vector<16xi32>], vector<16xf32>,
      %mul3A_646 = arith.mulf %gather3A_644, %gather3A_645 : vector<16xf32>
      %slice3A_647 = vector.extract_strided_slice %get3A_169 {offsets = [10], sizes = [1], strides = [1]} : vector<16xf32> to vector<1xf32>
      %squeeze3A_648 = vector.extract %slice3A_647[0] : f32 from vector<1xf32>
      %mul3A_649 = vector.broadcast %squeeze3A_648 : f32 to vector<16xf32>
      %mul3A_650 = arith.mulf %mul3A_646, %mul3A_649 : vector<16xf32>
      %add3A_651 = arith.addf %add3A_643, %mul3A_650 : vector<16xf32>
      %gather3A_652 = tpu.vector_load_idx %arg11[%add3A_310, %broadcast_in_dim3A_260] : memref<512x64xf32, #tpu.memory_space<vmem>>[vector<16xi32>, vector<16xi32>], vector<16xf32>,
      %gather3A_653 = tpu.vector_load_idx %arg12[%add3A_310, %broadcast_in_dim3A_260] : memref<512x64xf32, #tpu.memory_space<vmem>>[vector<16xi32>, vector<16xi32>], vector<16xf32>,
      %mul3A_654 = arith.mulf %gather3A_652, %gather3A_653 : vector<16xf32>
      %slice3A_655 = vector.extract_strided_slice %get3A_169 {offsets = [11], sizes = [1], strides = [1]} : vector<16xf32> to vector<1xf32>
      %squeeze3A_656 = vector.extract %slice3A_655[0] : f32 from vector<1xf32>
      %mul3A_657 = vector.broadcast %squeeze3A_656 : f32 to vector<16xf32>
      %mul3A_658 = arith.mulf %mul3A_654, %mul3A_657 : vector<16xf32>
      %add3A_659 = arith.addf %add3A_651, %mul3A_658 : vector<16xf32>
      %gather3A_660 = tpu.vector_load_idx %arg11[%add3A_310, %broadcast_in_dim3A_262] : memref<512x64xf32, #tpu.memory_space<vmem>>[vector<16xi32>, vector<16xi32>], vector<16xf32>,
      %gather3A_661 = tpu.vector_load_idx %arg12[%add3A_310, %broadcast_in_dim3A_262] : memref<512x64xf32, #tpu.memory_space<vmem>>[vector<16xi32>, vector<16xi32>], vector<16xf32>,
      %mul3A_662 = arith.mulf %gather3A_660, %gather3A_661 : vector<16xf32>
      %slice3A_663 = vector.extract_strided_slice %get3A_169 {offsets = [12], sizes = [1], strides = [1]} : vector<16xf32> to vector<1xf32>
      %squeeze3A_664 = vector.extract %slice3A_663[0] : f32 from vector<1xf32>
      %mul3A_665 = vector.broadcast %squeeze3A_664 : f32 to vector<16xf32>
      %mul3A_666 = arith.mulf %mul3A_662, %mul3A_665 : vector<16xf32>
      %add3A_667 = arith.addf %add3A_659, %mul3A_666 : vector<16xf32>
      %gather3A_668 = tpu.vector_load_idx %arg11[%add3A_310, %broadcast_in_dim3A_264] : memref<512x64xf32, #tpu.memory_space<vmem>>[vector<16xi32>, vector<16xi32>], vector<16xf32>,
      %gather3A_669 = tpu.vector_load_idx %arg12[%add3A_310, %broadcast_in_dim3A_264] : memref<512x64xf32, #tpu.memory_space<vmem>>[vector<16xi32>, vector<16xi32>], vector<16xf32>,
      %mul3A_670 = arith.mulf %gather3A_668, %gather3A_669 : vector<16xf32>
      %slice3A_671 = vector.extract_strided_slice %get3A_169 {offsets = [13], sizes = [1], strides = [1]} : vector<16xf32> to vector<1xf32>
      %squeeze3A_672 = vector.extract %slice3A_671[0] : f32 from vector<1xf32>
      %mul3A_673 = vector.broadcast %squeeze3A_672 : f32 to vector<16xf32>
      %mul3A_674 = arith.mulf %mul3A_670, %mul3A_673 : vector<16xf32>
      %add3A_675 = arith.addf %add3A_667, %mul3A_674 : vector<16xf32>
      %gather3A_676 = tpu.vector_load_idx %arg11[%add3A_310, %broadcast_in_dim3A_266] : memref<512x64xf32, #tpu.memory_space<vmem>>[vector<16xi32>, vector<16xi32>], vector<16xf32>,
      %gather3A_677 = tpu.vector_load_idx %arg12[%add3A_310, %broadcast_in_dim3A_266] : memref<512x64xf32, #tpu.memory_space<vmem>>[vector<16xi32>, vector<16xi32>], vector<16xf32>,
      %mul3A_678 = arith.mulf %gather3A_676, %gather3A_677 : vector<16xf32>
      %slice3A_679 = vector.extract_strided_slice %get3A_169 {offsets = [14], sizes = [1], strides = [1]} : vector<16xf32> to vector<1xf32>
      %squeeze3A_680 = vector.extract %slice3A_679[0] : f32 from vector<1xf32>
      %mul3A_681 = vector.broadcast %squeeze3A_680 : f32 to vector<16xf32>
      %mul3A_682 = arith.mulf %mul3A_678, %mul3A_681 : vector<16xf32>
      %add3A_683 = arith.addf %add3A_675, %mul3A_682 : vector<16xf32>
      %gather3A_684 = tpu.vector_load_idx %arg11[%add3A_310, %broadcast_in_dim3A_268] : memref<512x64xf32, #tpu.memory_space<vmem>>[vector<16xi32>, vector<16xi32>], vector<16xf32>,
      %gather3A_685 = tpu.vector_load_idx %arg12[%add3A_310, %broadcast_in_dim3A_268] : memref<512x64xf32, #tpu.memory_space<vmem>>[vector<16xi32>, vector<16xi32>], vector<16xf32>,
      %mul3A_686 = arith.mulf %gather3A_684, %gather3A_685 : vector<16xf32>
      %slice3A_687 = vector.extract_strided_slice %get3A_169 {offsets = [15], sizes = [1], strides = [1]} : vector<16xf32> to vector<1xf32>
      %squeeze3A_688 = vector.extract %slice3A_687[0] : f32 from vector<1xf32>
      %mul3A_689 = vector.broadcast %squeeze3A_688 : f32 to vector<16xf32>
      %mul3A_690 = arith.mulf %mul3A_686, %mul3A_689 : vector<16xf32>
      %add3A_691 = arith.addf %add3A_683, %mul3A_690 : vector<16xf32>
      %gather3A_692 = tpu.vector_load_idx %arg11[%add3A_310, %broadcast_in_dim3A_270] : memref<512x64xf32, #tpu.memory_space<vmem>>[vector<16xi32>, vector<16xi32>], vector<16xf32>,
      %gather3A_693 = tpu.vector_load_idx %arg12[%add3A_310, %broadcast_in_dim3A_270] : memref<512x64xf32, #tpu.memory_space<vmem>>[vector<16xi32>, vector<16xi32>], vector<16xf32>,
      %mul3A_694 = arith.mulf %gather3A_692, %gather3A_693 : vector<16xf32>
      %slice3A_695 = vector.extract_strided_slice %get3A_171 {offsets = [0], sizes = [1], strides = [1]} : vector<16xf32> to vector<1xf32>
      %squeeze3A_696 = vector.extract %slice3A_695[0] : f32 from vector<1xf32>
      %mul3A_697 = vector.broadcast %squeeze3A_696 : f32 to vector<16xf32>
      %mul3A_698 = arith.mulf %mul3A_694, %mul3A_697 : vector<16xf32>
      %add3A_699 = arith.addf %add3A_691, %mul3A_698 : vector<16xf32>
      %gather3A_700 = tpu.vector_load_idx %arg11[%add3A_310, %broadcast_in_dim3A_272] : memref<512x64xf32, #tpu.memory_space<vmem>>[vector<16xi32>, vector<16xi32>], vector<16xf32>,
      %gather3A_701 = tpu.vector_load_idx %arg12[%add3A_310, %broadcast_in_dim3A_272] : memref<512x64xf32, #tpu.memory_space<vmem>>[vector<16xi32>, vector<16xi32>], vector<16xf32>,
      %mul3A_702 = arith.mulf %gather3A_700, %gather3A_701 : vector<16xf32>
      %slice3A_703 = vector.extract_strided_slice %get3A_171 {offsets = [1], sizes = [1], strides = [1]} : vector<16xf32> to vector<1xf32>
      %squeeze3A_704 = vector.extract %slice3A_703[0] : f32 from vector<1xf32>
      %mul3A_705 = vector.broadcast %squeeze3A_704 : f32 to vector<16xf32>
      %mul3A_706 = arith.mulf %mul3A_702, %mul3A_705 : vector<16xf32>
      %add3A_707 = arith.addf %add3A_699, %mul3A_706 : vector<16xf32>
      %gather3A_708 = tpu.vector_load_idx %arg11[%add3A_310, %broadcast_in_dim3A_274] : memref<512x64xf32, #tpu.memory_space<vmem>>[vector<16xi32>, vector<16xi32>], vector<16xf32>,
      %gather3A_709 = tpu.vector_load_idx %arg12[%add3A_310, %broadcast_in_dim3A_274] : memref<512x64xf32, #tpu.memory_space<vmem>>[vector<16xi32>, vector<16xi32>], vector<16xf32>,
      %mul3A_710 = arith.mulf %gather3A_708, %gather3A_709 : vector<16xf32>
      %slice3A_711 = vector.extract_strided_slice %get3A_171 {offsets = [2], sizes = [1], strides = [1]} : vector<16xf32> to vector<1xf32>
      %squeeze3A_712 = vector.extract %slice3A_711[0] : f32 from vector<1xf32>
      %mul3A_713 = vector.broadcast %squeeze3A_712 : f32 to vector<16xf32>
      %mul3A_714 = arith.mulf %mul3A_710, %mul3A_713 : vector<16xf32>
      %add3A_715 = arith.addf %add3A_707, %mul3A_714 : vector<16xf32>
      %gather3A_716 = tpu.vector_load_idx %arg11[%add3A_310, %broadcast_in_dim3A_276] : memref<512x64xf32, #tpu.memory_space<vmem>>[vector<16xi32>, vector<16xi32>], vector<16xf32>,
      %gather3A_717 = tpu.vector_load_idx %arg12[%add3A_310, %broadcast_in_dim3A_276] : memref<512x64xf32, #tpu.memory_space<vmem>>[vector<16xi32>, vector<16xi32>], vector<16xf32>,
      %mul3A_718 = arith.mulf %gather3A_716, %gather3A_717 : vector<16xf32>
      %slice3A_719 = vector.extract_strided_slice %get3A_171 {offsets = [3], sizes = [1], strides = [1]} : vector<16xf32> to vector<1xf32>
      %squeeze3A_720 = vector.extract %slice3A_719[0] : f32 from vector<1xf32>
      %mul3A_721 = vector.broadcast %squeeze3A_720 : f32 to vector<16xf32>
      %mul3A_722 = arith.mulf %mul3A_718, %mul3A_721 : vector<16xf32>
      %add3A_723 = arith.addf %add3A_715, %mul3A_722 : vector<16xf32>
      %gather3A_724 = tpu.vector_load_idx %arg11[%add3A_310, %broadcast_in_dim3A_278] : memref<512x64xf32, #tpu.memory_space<vmem>>[vector<16xi32>, vector<16xi32>], vector<16xf32>,
      %gather3A_725 = tpu.vector_load_idx %arg12[%add3A_310, %broadcast_in_dim3A_278] : memref<512x64xf32, #tpu.memory_space<vmem>>[vector<16xi32>, vector<16xi32>], vector<16xf32>,
      %mul3A_726 = arith.mulf %gather3A_724, %gather3A_725 : vector<16xf32>
      %slice3A_727 = vector.extract_strided_slice %get3A_171 {offsets = [4], sizes = [1], strides = [1]} : vector<16xf32> to vector<1xf32>
      %squeeze3A_728 = vector.extract %slice3A_727[0] : f32 from vector<1xf32>
      %mul3A_729 = vector.broadcast %squeeze3A_728 : f32 to vector<16xf32>
      %mul3A_730 = arith.mulf %mul3A_726, %mul3A_729 : vector<16xf32>
      %add3A_731 = arith.addf %add3A_723, %mul3A_730 : vector<16xf32>
      %gather3A_732 = tpu.vector_load_idx %arg11[%add3A_310, %broadcast_in_dim3A_280] : memref<512x64xf32, #tpu.memory_space<vmem>>[vector<16xi32>, vector<16xi32>], vector<16xf32>,
      %gather3A_733 = tpu.vector_load_idx %arg12[%add3A_310, %broadcast_in_dim3A_280] : memref<512x64xf32, #tpu.memory_space<vmem>>[vector<16xi32>, vector<16xi32>], vector<16xf32>,
      %mul3A_734 = arith.mulf %gather3A_732, %gather3A_733 : vector<16xf32>
      %slice3A_735 = vector.extract_strided_slice %get3A_171 {offsets = [5], sizes = [1], strides = [1]} : vector<16xf32> to vector<1xf32>
      %squeeze3A_736 = vector.extract %slice3A_735[0] : f32 from vector<1xf32>
      %mul3A_737 = vector.broadcast %squeeze3A_736 : f32 to vector<16xf32>
      %mul3A_738 = arith.mulf %mul3A_734, %mul3A_737 : vector<16xf32>
      %add3A_739 = arith.addf %add3A_731, %mul3A_738 : vector<16xf32>
      %gather3A_740 = tpu.vector_load_idx %arg11[%add3A_310, %broadcast_in_dim3A_282] : memref<512x64xf32, #tpu.memory_space<vmem>>[vector<16xi32>, vector<16xi32>], vector<16xf32>,
      %gather3A_741 = tpu.vector_load_idx %arg12[%add3A_310, %broadcast_in_dim3A_282] : memref<512x64xf32, #tpu.memory_space<vmem>>[vector<16xi32>, vector<16xi32>], vector<16xf32>,
      %mul3A_742 = arith.mulf %gather3A_740, %gather3A_741 : vector<16xf32>
      %slice3A_743 = vector.extract_strided_slice %get3A_171 {offsets = [6], sizes = [1], strides = [1]} : vector<16xf32> to vector<1xf32>
      %squeeze3A_744 = vector.extract %slice3A_743[0] : f32 from vector<1xf32>
      %mul3A_745 = vector.broadcast %squeeze3A_744 : f32 to vector<16xf32>
      %mul3A_746 = arith.mulf %mul3A_742, %mul3A_745 : vector<16xf32>
      %add3A_747 = arith.addf %add3A_739, %mul3A_746 : vector<16xf32>
      %gather3A_748 = tpu.vector_load_idx %arg11[%add3A_310, %broadcast_in_dim3A_284] : memref<512x64xf32, #tpu.memory_space<vmem>>[vector<16xi32>, vector<16xi32>], vector<16xf32>,
      %gather3A_749 = tpu.vector_load_idx %arg12[%add3A_310, %broadcast_in_dim3A_284] : memref<512x64xf32, #tpu.memory_space<vmem>>[vector<16xi32>, vector<16xi32>], vector<16xf32>,
      %mul3A_750 = arith.mulf %gather3A_748, %gather3A_749 : vector<16xf32>
      %slice3A_751 = vector.extract_strided_slice %get3A_171 {offsets = [7], sizes = [1], strides = [1]} : vector<16xf32> to vector<1xf32>
      %squeeze3A_752 = vector.extract %slice3A_751[0] : f32 from vector<1xf32>
      %mul3A_753 = vector.broadcast %squeeze3A_752 : f32 to vector<16xf32>
      %mul3A_754 = arith.mulf %mul3A_750, %mul3A_753 : vector<16xf32>
      %add3A_755 = arith.addf %add3A_747, %mul3A_754 : vector<16xf32>
      %gather3A_756 = tpu.vector_load_idx %arg11[%add3A_310, %broadcast_in_dim3A_286] : memref<512x64xf32, #tpu.memory_space<vmem>>[vector<16xi32>, vector<16xi32>], vector<16xf32>,
      %gather3A_757 = tpu.vector_load_idx %arg12[%add3A_310, %broadcast_in_dim3A_286] : memref<512x64xf32, #tpu.memory_space<vmem>>[vector<16xi32>, vector<16xi32>], vector<16xf32>,
      %mul3A_758 = arith.mulf %gather3A_756, %gather3A_757 : vector<16xf32>
      %slice3A_759 = vector.extract_strided_slice %get3A_171 {offsets = [8], sizes = [1], strides = [1]} : vector<16xf32> to vector<1xf32>
      %squeeze3A_760 = vector.extract %slice3A_759[0] : f32 from vector<1xf32>
      %mul3A_761 = vector.broadcast %squeeze3A_760 : f32 to vector<16xf32>
      %mul3A_762 = arith.mulf %mul3A_758, %mul3A_761 : vector<16xf32>
      %add3A_763 = arith.addf %add3A_755, %mul3A_762 : vector<16xf32>
      %gather3A_764 = tpu.vector_load_idx %arg11[%add3A_310, %broadcast_in_dim3A_288] : memref<512x64xf32, #tpu.memory_space<vmem>>[vector<16xi32>, vector<16xi32>], vector<16xf32>,
      %gather3A_765 = tpu.vector_load_idx %arg12[%add3A_310, %broadcast_in_dim3A_288] : memref<512x64xf32, #tpu.memory_space<vmem>>[vector<16xi32>, vector<16xi32>], vector<16xf32>,
      %mul3A_766 = arith.mulf %gather3A_764, %gather3A_765 : vector<16xf32>
      %slice3A_767 = vector.extract_strided_slice %get3A_171 {offsets = [9], sizes = [1], strides = [1]} : vector<16xf32> to vector<1xf32>
      %squeeze3A_768 = vector.extract %slice3A_767[0] : f32 from vector<1xf32>
      %mul3A_769 = vector.broadcast %squeeze3A_768 : f32 to vector<16xf32>
      %mul3A_770 = arith.mulf %mul3A_766, %mul3A_769 : vector<16xf32>
      %add3A_771 = arith.addf %add3A_763, %mul3A_770 : vector<16xf32>
      %gather3A_772 = tpu.vector_load_idx %arg11[%add3A_310, %broadcast_in_dim3A_290] : memref<512x64xf32, #tpu.memory_space<vmem>>[vector<16xi32>, vector<16xi32>], vector<16xf32>,
      %gather3A_773 = tpu.vector_load_idx %arg12[%add3A_310, %broadcast_in_dim3A_290] : memref<512x64xf32, #tpu.memory_space<vmem>>[vector<16xi32>, vector<16xi32>], vector<16xf32>,
      %mul3A_774 = arith.mulf %gather3A_772, %gather3A_773 : vector<16xf32>
      %slice3A_775 = vector.extract_strided_slice %get3A_171 {offsets = [10], sizes = [1], strides = [1]} : vector<16xf32> to vector<1xf32>
      %squeeze3A_776 = vector.extract %slice3A_775[0] : f32 from vector<1xf32>
      %mul3A_777 = vector.broadcast %squeeze3A_776 : f32 to vector<16xf32>
      %mul3A_778 = arith.mulf %mul3A_774, %mul3A_777 : vector<16xf32>
      %add3A_779 = arith.addf %add3A_771, %mul3A_778 : vector<16xf32>
      %gather3A_780 = tpu.vector_load_idx %arg11[%add3A_310, %broadcast_in_dim3A_292] : memref<512x64xf32, #tpu.memory_space<vmem>>[vector<16xi32>, vector<16xi32>], vector<16xf32>,
      %gather3A_781 = tpu.vector_load_idx %arg12[%add3A_310, %broadcast_in_dim3A_292] : memref<512x64xf32, #tpu.memory_space<vmem>>[vector<16xi32>, vector<16xi32>], vector<16xf32>,
      %mul3A_782 = arith.mulf %gather3A_780, %gather3A_781 : vector<16xf32>
      %slice3A_783 = vector.extract_strided_slice %get3A_171 {offsets = [11], sizes = [1], strides = [1]} : vector<16xf32> to vector<1xf32>
      %squeeze3A_784 = vector.extract %slice3A_783[0] : f32 from vector<1xf32>
      %mul3A_785 = vector.broadcast %squeeze3A_784 : f32 to vector<16xf32>
      %mul3A_786 = arith.mulf %mul3A_782, %mul3A_785 : vector<16xf32>
      %add3A_787 = arith.addf %add3A_779, %mul3A_786 : vector<16xf32>
      %gather3A_788 = tpu.vector_load_idx %arg11[%add3A_310, %broadcast_in_dim3A_294] : memref<512x64xf32, #tpu.memory_space<vmem>>[vector<16xi32>, vector<16xi32>], vector<16xf32>,
      %gather3A_789 = tpu.vector_load_idx %arg12[%add3A_310, %broadcast_in_dim3A_294] : memref<512x64xf32, #tpu.memory_space<vmem>>[vector<16xi32>, vector<16xi32>], vector<16xf32>,
      %mul3A_790 = arith.mulf %gather3A_788, %gather3A_789 : vector<16xf32>
      %slice3A_791 = vector.extract_strided_slice %get3A_171 {offsets = [12], sizes = [1], strides = [1]} : vector<16xf32> to vector<1xf32>
      %squeeze3A_792 = vector.extract %slice3A_791[0] : f32 from vector<1xf32>
      %mul3A_793 = vector.broadcast %squeeze3A_792 : f32 to vector<16xf32>
      %mul3A_794 = arith.mulf %mul3A_790, %mul3A_793 : vector<16xf32>
      %add3A_795 = arith.addf %add3A_787, %mul3A_794 : vector<16xf32>
      %gather3A_796 = tpu.vector_load_idx %arg11[%add3A_310, %broadcast_in_dim3A_296] : memref<512x64xf32, #tpu.memory_space<vmem>>[vector<16xi32>, vector<16xi32>], vector<16xf32>,
      %gather3A_797 = tpu.vector_load_idx %arg12[%add3A_310, %broadcast_in_dim3A_296] : memref<512x64xf32, #tpu.memory_space<vmem>>[vector<16xi32>, vector<16xi32>], vector<16xf32>,
      %mul3A_798 = arith.mulf %gather3A_796, %gather3A_797 : vector<16xf32>
      %slice3A_799 = vector.extract_strided_slice %get3A_171 {offsets = [13], sizes = [1], strides = [1]} : vector<16xf32> to vector<1xf32>
      %squeeze3A_800 = vector.extract %slice3A_799[0] : f32 from vector<1xf32>
      %mul3A_801 = vector.broadcast %squeeze3A_800 : f32 to vector<16xf32>
      %mul3A_802 = arith.mulf %mul3A_798, %mul3A_801 : vector<16xf32>
      %add3A_803 = arith.addf %add3A_795, %mul3A_802 : vector<16xf32>
      %gather3A_804 = tpu.vector_load_idx %arg11[%add3A_310, %broadcast_in_dim3A_298] : memref<512x64xf32, #tpu.memory_space<vmem>>[vector<16xi32>, vector<16xi32>], vector<16xf32>,
      %gather3A_805 = tpu.vector_load_idx %arg12[%add3A_310, %broadcast_in_dim3A_298] : memref<512x64xf32, #tpu.memory_space<vmem>>[vector<16xi32>, vector<16xi32>], vector<16xf32>,
      %mul3A_806 = arith.mulf %gather3A_804, %gather3A_805 : vector<16xf32>
      %slice3A_807 = vector.extract_strided_slice %get3A_171 {offsets = [14], sizes = [1], strides = [1]} : vector<16xf32> to vector<1xf32>
      %squeeze3A_808 = vector.extract %slice3A_807[0] : f32 from vector<1xf32>
      %mul3A_809 = vector.broadcast %squeeze3A_808 : f32 to vector<16xf32>
      %mul3A_810 = arith.mulf %mul3A_806, %mul3A_809 : vector<16xf32>
      %add3A_811 = arith.addf %add3A_803, %mul3A_810 : vector<16xf32>
      %gather3A_812 = tpu.vector_load_idx %arg11[%add3A_310, %broadcast_in_dim3A_300] : memref<512x64xf32, #tpu.memory_space<vmem>>[vector<16xi32>, vector<16xi32>], vector<16xf32>,
      %gather3A_813 = tpu.vector_load_idx %arg12[%add3A_310, %broadcast_in_dim3A_300] : memref<512x64xf32, #tpu.memory_space<vmem>>[vector<16xi32>, vector<16xi32>], vector<16xf32>,
      %mul3A_814 = arith.mulf %gather3A_812, %gather3A_813 : vector<16xf32>
      %slice3A_815 = vector.extract_strided_slice %get3A_171 {offsets = [15], sizes = [1], strides = [1]} : vector<16xf32> to vector<1xf32>
      %squeeze3A_816 = vector.extract %slice3A_815[0] : f32 from vector<1xf32>
      %mul3A_817 = vector.broadcast %squeeze3A_816 : f32 to vector<16xf32>
      %mul3A_818 = arith.mulf %mul3A_814, %mul3A_817 : vector<16xf32>
      %add3A_819 = arith.addf %add3A_811, %mul3A_818 : vector<16xf32>
      %mul3A_820 = arith.constant 16 : i32
      %mul3A_821 = arith.muli %scan3A_306, %mul3A_820 : i32
      %swap3A = arith.index_cast %mul3A_821 : i32 to index
      %swap3A_822 = tpu.vector_load %arg15[%swap3A] {strides = array<i32>} : memref<512xf32, #tpu.memory_space<vmem>>, vector<16xf32>,
      tpu.vector_store %arg15[%swap3A], %add3A_819 {strides = array<i32>} : memref<512xf32, #tpu.memory_space<vmem>>, vector<16xf32>,
    }
    %scan3A_305 = arith.constant 32 : i32
    "tpu.region"() ({
      %run_scoped3A = tpu.sem_alloc : memref<!tpu.dma_semaphore, #tpu.memory_space<semaphore_mem>>
      %dma_start3A_306 = tpu.memref_slice %arg8[%mul3A_2] : memref<16384xf32, #tpu.memory_space<hbm>> -> memref<512xf32, #tpu.memory_space<hbm>>
      %dma_start3A_307 = tpu.memref_slice %arg8[%mul3A_2] : memref<16384xf32, #tpu.memory_space<hbm>> -> memref<512xf32, #tpu.memory_space<hbm>>
      tpu.enqueue_dma source(%arg15 : memref<512xf32, #tpu.memory_space<vmem>>) target(%dma_start3A_307 : memref<512xf32, #tpu.memory_space<hbm>>) target_semaphore(%run_scoped3A : memref<!tpu.dma_semaphore, #tpu.memory_space<semaphore_mem>>)
      %dma_wait3A_308 = tpu.memref_slice %arg8[%mul3A_2] : memref<16384xf32, #tpu.memory_space<hbm>> -> memref<512xf32, #tpu.memory_space<hbm>>
      %dma_wait3A_309 = tpu.memref_slice %arg8[%mul3A_2] : memref<16384xf32, #tpu.memory_space<hbm>> -> memref<512xf32, #tpu.memory_space<hbm>>
      tpu.wait_dma2 semaphore(%run_scoped3A : memref<!tpu.dma_semaphore, #tpu.memory_space<semaphore_mem>>) src(%arg15 : memref<512xf32, #tpu.memory_space<vmem>>) dst(%dma_wait3A_309 : memref<512xf32, #tpu.memory_space<hbm>>)
      tpu.yield
    }) : () -> ()
    return
  }
}

</mosaic_0001>

<sc_bundles>
// kernel: _run.3.cloned.1.call-start
scs
__scs_entry_jumppad:
0x0: {  	(pc) =	sbr.rel $0x88, $3  }
0x1: {  	(tag) =	ssettag $0x0;
	lr =	simm.s32 $0x1  }
0x2: {  	[smem:$0x3F9B] =	sst lr;
	_ =	strace $0xD0000000  }
0x3: {  	_ = 	snop  }
0x4: {  	_ = 	snop  }
0x5: {  	_ = 	snop  }
0x6: {  	_ = 	snop  }
0x7: {  	_ = 	snop  }
__scs_overlays_trampoline_lowered:
0x8: {  	[smem:$0x3FAA] =	sst s0  }
0x9: {  	[smem:$0x3FAB] =	sst s1  }
0xa: {  	[smem:$0x3FAC] =	sst s2  }
0xb: {  	[smem:$0x3FAD] =	sst s3  }
0xc: {  	[smem:$0x3FAE] =	sst s4  }
0xd: {  	[smem:$0x3FAF] =	sst s5  }
0xe: {  	[smem:$0x3FB0] =	sst s6  }
0xf: {  	[smem:$0x3FB1] =	sst s7  }
0x10: {  	[smem:$0x3FB2] =	sst s8  }
0x11: {  	[smem:$0x3FB3] =	sst s9;
	s0 =	simm.s32 @!p0 $0x0  }
0x12: {  	s1 =	sld [smem:$0x3F99];
	s0 =	simm.s32 @p0 $0x1  }
0x13: {  	[smem:$0x3FB4] =	sst s0;
	s0 =	simm.s32 @!p1 $0x0  }
0x14: {  	s2 =	sld [smem:$0x3F98];
	s0 =	simm.s32 @p1 $0x1  }
0x15: {  	[smem:$0x3FB5] =	sst s0;
	s0 =	simm.s32 @!p2 $0x0  }
0x16: {  	s3 =	sld [smem:$0x3FDB];
	s0 =	simm.s32 @p2 $0x1  }
0x17: {  	s4 =	simm.s32 $0x1BF5;
	[smem:$0x3FB7] =	sst s0  }
0x18: {  	s0 =	sld [smem:$0x3F9A];
	_ =	swait.ge [sflag:s4], $0x0  }
0x19: {  	s7 =	sld [smem:$0x3F9B]  }
0x1a: {  	s8 =	sadd.s32 $0xFFFFE003, lr  }
0x1b: {  	s9 =	sadd.s32 $0xFFFFFEF7, lr;
	s5 =	simm.s32 $0xFFFFFFFF;
	p2 =	slt.u32 s8, $0xFFFFF086  }
0x1c: {  	p1 =	slt.u32 s9, $0xF7A;
	s5 =	simm.s32 @!p2 $0x0  }
0x1d: {  	s5 =	simm.s32 @p1 $0x1;
	p0 =	seq.s32 s7, s2  }
0x1e: {  	s7 =	smul.u32 @!p0 $0xF7A, s2;
	p2 =	seq.s32 @!p0 s5, $0x0  }
0x1f: {  	s9 =	smul.u32 $0xF7A, s1;
	s8 =	simm.s32 @!p0 $0x1BF5;
	p2 =	por !p2, p0  }
0x20: {  	[sflag:s8] =	ssyncset.s32 @!p0 $0xFFFFF086;
	s6 =	sadd.s32 @!p0 s3, s7;
	s7 =	simm.s32 @!p0 $0x108  }
0x21: {  	s3 =	sadd.s32 s3, s9;
	s6 =	sadd.s32 @!p0 $0x88, s6;
	s7 =	simm.s32 @p2 $0x1082  }
0x22: {  	[simem:s7], [sflag:s8] =	dma.local @!p0 [hbm:s6], $0xF7A  }
0x23: {  	s9 =	sor.u32 $0xD0000000, s2;
	s6 =	simm.s32 $0x108;
	_ =	swait.ge @!p0 [sflag:s8], $0x0  }
0x24: {  	s3 =	sadd.s32 $0x88, s3;
	s6 =	simm.s32 @!p1 $0x1082;
	[sflag:s4] =	ssyncset.s32 $0xFFFFF086  }
0x25: {  	[simem:s6], [sflag:s4] =	dma.local [hbm:s3], $0xF7A  }
0x26: {  	[smem:$0x3F9B] =	sst s1;
	(tag) =	ssettag s2;
	_ =	strace s9  }
0x27: {  	s1 =	sld [smem:$0x3FAB]  }
0x28: {  	s2 =	sld [smem:$0x3FAC]  }
0x29: {  	s4 =	sld [smem:$0x3FAE]  }
0x2a: {  	p0 =	seq.s32 s5, $0x0;
	s5 =	sld [smem:$0x3FAF]  }
0x2b: {  	s6 =	sld [smem:$0x3FB0]  }
0x2c: {  	s7 =	sld [smem:$0x3FB1]  }
0x2d: {  	s3 =	simm.s32 $0x108;
	s8 =	sld [smem:$0x3FB2]  }
0x2e: {  	s3 =	simm.s32 @!p0 $0x1082;
	s9 =	sld [smem:$0x3FB3]  }
0x2f: {  	lr =	sadd.s32 s0, s3;
	s0 =	sld [smem:$0x3FAA]  }
0x30: {  	s3 =	sld [smem:$0x3FAD]  }
0x31: {  	[smem:$0x3FB6] =	sst s10  }
0x32: {  	s10 =	sld [smem:$0x3FB4];
	_ =	sdelay $0x3  }
0x33: {  	p0 =	seq.s32 s10, $0x1;
	s10 =	sld [smem:$0x3FB6];
	_ =	sdelay $0x3  }
0x34: {  	[smem:$0x3FB6] =	sst s10  }
0x35: {  	s10 =	sld [smem:$0x3FB5];
	_ =	sdelay $0x3  }
0x36: {  	p1 =	seq.s32 s10, $0x1;
	s10 =	sld [smem:$0x3FB6];
	_ =	sdelay $0x3  }
0x37: {  	[smem:$0x3FB6] =	sst s10  }
0x38: {  	s10 =	sld [smem:$0x3FB7]  }
0x39: {  	_ = 	snop;
	(pc) =	sbr.ind lr, $3  }
0x3a: {  	_ = 	snop  }
0x3b: {  	_ = 	snop  }
0x3c: {  	p2 =	seq.s32 s10, $0x1;
	s10 =	sld [smem:$0x3FB6]  }
0x3d: {  	_ =	shalt  }
0x3e: {  	_ =	shalt  }
0x3f: {  	_ =	shalt  }
0x40: {  	_ =	shalt  }
0x41: {  	_ =	shalt  }
0x42: {  	_ =	shalt  }
0x43: {  	_ =	shalt  }
0x44: {  	_ =	shalt  }
0x45: {  	_ =	shalt  }
0x46: {  	_ =	shalt  }
0x47: {  	_ =	shalt  }
0x48: {  	_ =	shalt  }
0x49: {  	_ =	shalt  }
0x4a: {  	_ =	shalt  }
0x4b: {  	_ =	shalt  }
0x4c: {  	_ =	shalt  }
0x4d: {  	_ =	shalt  }
0x4e: {  	_ =	shalt  }
0x4f: {  	_ =	shalt  }
0x50: {  	_ =	shalt  }
0x51: {  	_ =	shalt  }
0x52: {  	_ =	shalt  }
0x53: {  	_ =	shalt  }
0x54: {  	_ =	shalt  }
0x55: {  	_ =	shalt  }
0x56: {  	_ =	shalt  }
0x57: {  	_ =	shalt  }
0x58: {  	_ =	shalt  }
0x59: {  	_ =	shalt  }
0x5a: {  	_ =	shalt  }
0x5b: {  	_ =	shalt  }
0x5c: {  	_ =	shalt  }
0x5d: {  	_ =	shalt  }
0x5e: {  	_ =	shalt  }
0x5f: {  	_ =	shalt  }
0x60: {  	_ =	shalt  }
0x61: {  	_ =	shalt  }
0x62: {  	_ =	shalt  }
0x63: {  	_ =	shalt  }
0x64: {  	_ =	shalt  }
0x65: {  	_ =	shalt  }
0x66: {  	_ =	shalt  }
0x67: {  	_ =	shalt  }
0x68: {  	_ =	shalt  }
0x69: {  	_ =	shalt  }
0x6a: {  	_ =	shalt  }
0x6b: {  	_ =	shalt  }
0x6c: {  	_ =	shalt  }
0x6d: {  	_ =	shalt  }
0x6e: {  	_ =	shalt  }
0x6f: {  	_ =	shalt  }
0x70: {  	_ =	shalt  }
0x71: {  	_ =	shalt  }
0x72: {  	_ =	shalt  }
0x73: {  	_ =	shalt  }
0x74: {  	_ =	shalt  }
0x75: {  	_ =	shalt  }
0x76: {  	_ =	shalt  }
0x77: {  	_ =	shalt  }
0x78: {  	_ =	shalt  }
0x79: {  	_ =	shalt  }
0x7a: {  	_ =	shalt  }
0x7b: {  	_ =	shalt  }
0x7c: {  	_ =	shalt  }
0x7d: {  	_ =	shalt  }
0x7e: {  	_ =	shalt  }
0x7f: {  	_ =	shalt  }
0x80: {  	_ =	shalt  }
0x81: {  	_ =	shalt  }
0x82: {  	_ =	shalt  }
0x83: {  	_ =	shalt  }
0x84: {  	_ =	shalt  }
0x85: {  	_ =	shalt  }
0x86: {  	_ =	shalt  }
0x87: {  	_ =	shalt  }
.Lfunc_end0:
.L_simem_size_0:
called_computation_lowered:
.L_overlay_start_0:
0x88: {  	s2 =	sld [smem:$0x3FD9]  }
0x89: {  	s3 =	sld [smem:$0x3FFE];
	_ =	sdelay $0x1  }
0x8a: {  	s1 =	srdreg.scid  }
0x8b: {  	s0 =	sand.u32 $0x1, s1  }
0x8c: {  	s17 =	sshll.u32 s0, $0xA;
	s2 =	sadd.s32 s3, s2  }
0x8d: {  	s2 =	sadd.s32 s2, s17  }
0x8e: {  	[smem:$0x3FC2] =	sst s2  }
0x8f: {  	_ = 	snop  }
0x90: {  	s2 =	sld [smem:$0x3FC9]  }
0x91: {  	s18 =	sld [smem:$0x3FC8]  }
0x92: {  	s4 =	sld [smem:$0x3FC5]  }
0x93: {  	s5 =	sld [smem:$0x3FC4]  }
0x94: {  	s6 =	sld [smem:$0x3FD0];
	(tm) =	ssettm $0x1  }
0x95: {  	s7 =	sld [smem:$0x3FFB];
	_ =	sdelay $0x3  }
0x96: {  	_ =	strace s7  }
0x97: {  	s7 =	sld [smem:$0x3FFC];
	_ =	sdelay $0x3  }
0x98: {  	_ =	strace s7  }
0x99: {  	s7 =	sld [smem:$0x3FFD];
	_ =	sdelay $0x3  }
0x9a: {  	_ =	strace s7  }
0x9b: {  	_ =	strace $0x8FFFFFFF  }
0x9c: {  	s19 =	sld [smem:$0x3FDB];
	_ =	sdelay $0x1  }
0x9d: {  	s8 =	simm.s32 $_scs_section_size  }
0x9e: {  	s9 =	simm.s32 $_size__tile_overlayer_lowered;
	s10 =	simm.s32 $_tile_overlayer_lowered  }
0x9f: {  	s22 =	simm.s32 $0x1BFF;
	s21 =	sshll.u32 s10, $0x1;
	s7 =	sadd.s32 s8, s19  }
0xa0: {  	s11 =	simm.s32 $0x0;
	s20 =	sshll.u32 s9, $0x1;
	s9 =	sadd.s32 s21, s7  }
0xa1: {  	[timem:s11], [sflag:s22] =	dma.local [hbm:s9], s20  }
0xa2: {  	_ =	swait.ge [sflag:s22], s20  }
0xa3: {  	s8 =	ssub.s32 $0x0, s20;
	[sflag:s22] =	ssyncset.done $0x0  }
0xa4: {  	[sflag:s22] =	ssyncadd.s32 s8;
	_ =	sdelay $0x1  }
0xa5: {  	s23 =	simm.s32 $0x1B8B  }
0xa6: {  	_ =	swait.ge [sflag:s23], $0x1  }
0xa7: {  	[sflag:s23] =	ssyncset.done $0x0  }
0xa8: {  	s25 =	simm.s32 $0x1B8E;
	s24 =	sld [smem:$0x3FFE];
	[sflag:s23] =	ssyncadd.s32 $0xFFFFFFFF  }
0xa9: {  	s26 =	simm.s32 $execute0_lowered;
	[smem:$0x3FD2] =	sst s25  }
0xaa: {  	s9 =	sshll.u32 s26, $0x1;
	_ =	strace $0x80000046;
	[dreg:$0x1] =	wrdreg $0xFFFFFFFF  }
0xab: {  	s28 =	simm.s32 $_size_execute0_lowered;
	s7 =	sadd.s32 s7, s9;
	[dreg:$0x0] =	wrdreg $0x0  }
0xac: {  	s9 =	sshll.u32 s28, $0x1;
	[dreg:$0x2] =	wrdreg s7  }
0xad: {  	[dreg:$0x3] =	wrdreg s9  }
0xae: {  	[dreg:$0x4] =	wrdreg $0xC0  }
0xaf: {  	_ =	task [dreg:s11], $0x5FFFF  }
0xb0: {  	[dreg:$0x1] =	wrdreg $0xFFFFFFFF  }
0xb1: {  	[dreg:$0x0] =	wrdreg $0x60  }
0xb2: {  	[dreg:$0x2] =	wrdreg s2  }
0xb3: {  	[dreg:$0x3] =	wrdreg s18  }
0xb4: {  	[dreg:$0x4] =	wrdreg s24  }
0xb5: {  	[dreg:$0x5] =	wrdreg s4  }
0xb6: {  	[dreg:$0x6] =	wrdreg s5  }
0xb7: {  	[dreg:$0x7] =	wrdreg s6  }
0xb8: {  	[dreg:$0x8] =	wrdreg $0x9  }
0xb9: {  	_ =	task.clear_ibuf [dreg:s11], $0x9FFFF;
	_ =	strace $0x90000046  }
0xba: {  	s29 =	simm.s32 $0x9;
	_ =	strace $0x80000048  }
0xbb: {  	_ =	swait.ge [sflag:s29], $0x1  }
0xbc: {  	[sflag:s29] =	ssyncadd.s32 $0xFFFFFFFF  }
0xbd: {  	_ =	strace $0x90000048  }
0xbe: {  	_ =	sfence  }
0xbf: {  	s30 =	sld [smem:$0x0];
	_ =	sdelay $0x2  }
0xc0: {  	s31 =	sshll.u32 s1, $0xD;
	s1 =	sshrl.u32 s1, $0x2  }
0xc1: {  	s3 =	sand.u32 $0x4000, s31;
	s1 =	sadd.s32 s1, s30  }
0xc2: {  	s0 =	sor.u32 s3, s0;
	s1 =	sshll.u32 s1, $0x11  }
0xc3: {  	s0 =	sor.u32 s1, s0  }
0xc4: {  	s0 =	sadd.s32 $0x8F2B, s0  }
0xc5: {  	[sflag:s0] =	ssyncadd.remote.s32 $0x1  }
0xc6: {  	_ =	sfence.sel $0xFFFF  }
0xc7: {  	[dreg:$0x0] =	wrdreg $0xFFFFFFFF;
	(pc) =	sbr.abs _section_cstart, $3  }
0xc8: {  	[dreg:$0x1] =	wrdreg $0xFFFFFFFF  }
0xc9: {  	_ =	task.clear_ibuf [dreg:s11], $0x2FFFF;
	_ =	strace $0x9FFFFFFF  }
0xca: {  	(tm) =	ssettm $0x7FFFFFFF  }
0xcb: {  	_ =	shalt  }
tec
execute0_lowered:
.L_overlay_start_1:
0x0: {  	(tag) =	ssettag $0x1  }
0x1: {  	s0 =	rddreg [dreg:$0x0]  }
0x2: {  	s1 =	rddreg [dreg:$0x1]  }
0x3: {  	s2 =	rddreg [dreg:$0x2]  }
0x4: {  	s4 =	rddreg [dreg:$0x5];
	s3 =	simm.s32 $0x0  }
0x5: {  	s6 =	srdreg.scid;
	s8 =	stileid.u32;
	s11 =	simm.s32 $0x3  }
0x6: {  	s12 =	simm.s32 $0x200;
	s13 =	simm.s32 $0x10400;
	s14 =	simm.s32 $0x10440  }
0x7: {  	s15 =	simm.s32 $0x80;
	s16 =	simm.s32 $0x400;
	s17 =	simm.s32 $0x8400  }
0x8: {  	s18 =	simm.s32 $0x2400;
	s19 =	simm.s32 $0x280;
	s20 =	simm.s32 $0xA400  }
0x9: {  	s21 =	simm.s32 $0x100;
	s22 =	simm.s32 $0x4400;
	s23 =	simm.s32 $0x300  }
0xa: {  	s24 =	simm.s32 $0xC400;
	s25 =	simm.s32 $0x180;
	s28 =	simm.s32 $0x380  }
0xb: {  	s29 =	simm.s32 $0xE400;
	s30 =	simm.s32 $0x1;
	s31 =	simm.s32 $0x2  }
0xc: {  	[smem:$0x7FF] =	sst s3;
	s5 =	sadd.s32 $0xF42800, s2;
	s6 =	sand.u32 $0x1, s6  }
0xd: {  	s8 =	sshll.u32 s8, $0x7;
	s7 =	ssub.s32 $0x2, s6;
	s9 =	sshll.u32 s6, $0x6  }
0xe: {  	v0 =	vlaneseq.u32;
	_ =	strace $0x80000047;
	s26 =	sshrl.u32 s7, $0x1;
	s9 =	sor.u32 s9, s8  }
0xf: {  	v0 =	vmul.u32 $0x40, v0;
	s6 =	sadd.s32 $0x16E3A00, s2;
	s2 =	ssub.s32 s7, s26;
	s7 =	sadd.s32 s0, s9  }
0x10: {  	s8 =	sadd.s32 s1, s9;
	s9 =	sadd.s32 s4, s9;
	s26 =	simm.s32 $0x6400  }
0x11: {  	[tilespmem:$0x1FFF0] =	vst v0;
	s0 =	simm.s32 $0x10450;
	s4 =	simm.s32 $0x0;
	s10 =	smax.u32 s2, $0x1  }
.LBB2_1:
0x12: {  	[tilespmem:s3], [sflag:$0x3] =	stream.linear.gather [hbm4b:s7+s3], $0x200, $0x38;
	[tilespmem:$0x10650] =	vst v63  }
0x13: {  	_ =	swait.ge [sflag:s11], $0x200  }
0x14: {  	[sflag:s11] =	ssyncset.done $0x0  }
0x15: {  	[sflag:s11] =	ssyncadd.s32 $0xFFFFFE00  }
0x16: {  	[tilespmem:s12], [sflag:$0x3] =	stream.linear.gather [hbm4b:s8+s3], $0x200, $0x38;
	[tilespmem:$0x10650] =	vst v63  }
0x17: {  	_ =	swait.ge [sflag:s11], $0x200  }
0x18: {  	[sflag:s11] =	ssyncset.done $0x0  }
0x19: {  	[sflag:s11] =	ssyncadd.s32 $0xFFFFFE00  }
0x1a: {  	s1 =	rddreg [dreg:$0x3]  }
0x1b: {  	[tilespmem:s13], [sflag:$0x3] =	stream.linear.gather [hbm4b:s1+s3], $0x40, $0x38;
	[tilespmem:$0x10650] =	vst v63  }
0x1c: {  	_ =	swait.ge [sflag:s11], $0x40  }
0x1d: {  	[sflag:s11] =	ssyncset.done $0x0  }
0x1e: {  	[sflag:s11] =	ssyncadd.s32 $0xFFFFFFC0  }
0x1f: {  	s2 =	rddreg [dreg:$0x4]  }
0x20: {  	[tilespmem:s14], [sflag:$0x3] =	stream.linear.gather [hbm4b:s2+s3], $0x10, $0x38;
	[tilespmem:$0x10650] =	vst v63  }
0x21: {  	_ =	swait.ge [sflag:s11], $0x10  }
0x22: {  	[sflag:s11] =	ssyncset.done $0x0  }
0x23: {  	[sflag:s11] =	ssyncadd.s32 $0xFFFFFFF0  }
0x24: {  	[tilespmem:s16], [sflag:$0x1] =	stream.indirect.gather [hbm4b:s5+s15], $0x40, s3, s15, $0xb8;
	[tilespmem:$0x10650] =	vst v63  }
0x25: {  	_ = 	snop  }
0x26: {  	[tilespmem:s17], [sflag:$0x2] =	stream.indirect.gather [hbm4b:s6+s15], $0x40, s12, s15, $0xb8;
	[tilespmem:$0x10650] =	vst v63  }
0x27: {  	_ = 	snop  }
0x28: {  	[tilespmem:s18], [sflag:$0x1] =	stream.indirect.gather [hbm4b:s5+s15], $0x40, s15, s15, $0xb8;
	[tilespmem:$0x10650] =	vst v63  }
0x29: {  	_ = 	snop  }
0x2a: {  	[tilespmem:s20], [sflag:$0x2] =	stream.indirect.gather [hbm4b:s6+s15], $0x40, s19, s15, $0xb8;
	[tilespmem:$0x10650] =	vst v63  }
0x2b: {  	_ = 	snop  }
0x2c: {  	[tilespmem:s22], [sflag:$0x1] =	stream.indirect.gather [hbm4b:s5+s15], $0x40, s21, s15, $0xb8;
	[tilespmem:$0x10650] =	vst v63  }
0x2d: {  	_ = 	snop  }
0x2e: {  	[tilespmem:s24], [sflag:$0x2] =	stream.indirect.gather [hbm4b:s6+s15], $0x40, s23, s15, $0xb8;
	[tilespmem:$0x10650] =	vst v63  }
0x2f: {  	_ = 	snop  }
0x30: {  	[tilespmem:s26], [sflag:$0x1] =	stream.indirect.gather [hbm4b:s5+s15], $0x40, s25, s15, $0xb8;
	[tilespmem:$0x10650] =	vst v63  }
0x31: {  	_ = 	snop  }
0x32: {  	[tilespmem:s29], [sflag:$0x2] =	stream.indirect.gather [hbm4b:s6+s15], $0x40, s28, s15, $0xb8;
	[tilespmem:$0x10650] =	vst v63  }
0x33: {  	_ =	swait.ge [sflag:s30], $0x2000  }
0x34: {  	[sflag:s30] =	ssyncset.done $0x0  }
0x35: {  	[sflag:s30] =	ssyncadd.s32 $0xFFFFE000  }
0x36: {  	_ =	swait.ge [sflag:s31], $0x2000  }
0x37: {  	[sflag:s31] =	ssyncset.done $0x0  }
0x38: {  	[sflag:s31] =	ssyncadd.s32 $0xFFFFE000  }
0x39: {  	_ =	swait.ge [sflag:s30], $0x2000  }
0x3a: {  	[sflag:s30] =	ssyncset.done $0x0  }
0x3b: {  	[sflag:s30] =	ssyncadd.s32 $0xFFFFE000  }
0x3c: {  	_ =	swait.ge [sflag:s31], $0x2000  }
0x3d: {  	[sflag:s31] =	ssyncset.done $0x0  }
0x3e: {  	[sflag:s31] =	ssyncadd.s32 $0xFFFFE000  }
0x3f: {  	_ =	swait.ge [sflag:s30], $0x2000  }
0x40: {  	[sflag:s30] =	ssyncset.done $0x0  }
0x41: {  	[sflag:s30] =	ssyncadd.s32 $0xFFFFE000  }
0x42: {  	_ =	swait.ge [sflag:s31], $0x2000  }
0x43: {  	[sflag:s31] =	ssyncset.done $0x0  }
0x44: {  	[sflag:s31] =	ssyncadd.s32 $0xFFFFE000  }
0x45: {  	_ =	swait.ge [sflag:s30], $0x2000  }
0x46: {  	[sflag:s30] =	ssyncset.done $0x0  }
0x47: {  	[sflag:s30] =	ssyncadd.s32 $0xFFFFE000  }
0x48: {  	_ =	swait.ge [sflag:s31], $0x2000  }
0x49: {  	v1 =	vld [tilespmem:$0x1FFF0];
	_ =	sdelay $0x2  }
0x4a: {  	v0 =	vmov s3;
	[sflag:s31] =	ssyncset.done $0x0  }
0x4b: {  	v0 =	vshll.u32 v0, $0x6;
	[sflag:s31] =	ssyncadd.s32 $0xFFFFE000  }
0x4c: {  	v3 =	vld [tilespmem:$0x10400];
	v0 =	vor.u32 v1, v0  }
0x4d: {  	v33 =	vld [tilespmem:$0x10410]  }
0x4e: {  	v2 =	vld [tilespmem:$0x10420];
	v4 =	vor.u32 $0x1, v0  }
0x4f: {  	v60 =	vld [tilespmem:$0x10430]  }
0x50: {  	v1 =	vld [tilespmem:$0x10440];
	v5 =	vor.u32 $0x2, v0  }
0x51: {  	v7 =	vld.idx.msk [tilespmem:v0+s17+$0x0], $0xffff  }
0x52: {  	v9 =	vor.u32 $0x3, v0;
	v8 =	vld.idx.msk [tilespmem:v0+s16+$0x0], $0xffff  }
0x53: {  	v10 =	vld.idx.msk [tilespmem:v4+s16+$0x0], $0xffff  }
0x54: {  	v11 =	vor.u32 $0x4, v0;
	v4 =	vld.idx.msk [tilespmem:v4+s17+$0x0], $0xffff  }
0x55: {  	v12 =	vld.idx.msk [tilespmem:v5+s16+$0x0], $0xffff  }
0x56: {  	v13 =	vor.u32 $0x5, v0;
	v5 =	vld.idx.msk [tilespmem:v5+s17+$0x0], $0xffff  }
0x57: {  	v14 =	vld.idx.msk [tilespmem:v9+s16+$0x0], $0xffff  }
0x58: {  	v54 =	vor.u32 $0x6, v0;
	v16 =	vbroadcast v3, $0x0;
	v53 =	vld.idx.msk [tilespmem:v9+s17+$0x0], $0xffff;
	v7 =	vmul.f32 v7, v8  }
0x59: {  	v6 =	vbroadcast v3, $0x1;
	v15 =	vld.idx.msk [tilespmem:v11+s16+$0x0], $0xffff  }
0x5a: {  	v56 =	vor.u32 $0x7, v0;
	v55 =	vld.idx.msk [tilespmem:v11+s17+$0x0], $0xffff;
	v4 =	vmul.f32 v4, v10;
	v7 =	vmul.f32 v7, v16  }
0x5b: {  	v18 =	vbroadcast v3, $0x2;
	[tilespmem:$0x1FBC0] =	vst v16;
	v5 =	vmul.f32 v5, v12;
	v16 =	vld.idx.msk [tilespmem:v13+s16+$0x0], $0xffff  }
0x5c: {  	v57 =	vor.u32 $0x8, v0;
	v13 =	vld.idx.msk [tilespmem:v13+s17+$0x0], $0xffff;
	v4 =	vmul.f32 v4, v6;
	v7 =	vadd.f32 v7, v1  }
0x5d: {  	v58 =	vor.u32 $0x9, v0;
	v17 =	vld.idx.msk [tilespmem:v54+s16+$0x0], $0xffff;
	v5 =	vmul.f32 v5, v18  }
0x5e: {  	[tilespmem:$0x1FBD0] =	vst v1;
	v9 =	vld.idx.msk [tilespmem:v54+s17+$0x0], $0xffff;
	v1 =	vbroadcast v3, $0x3;
	v4 =	vadd.f32 v4, v7;
	v7 =	vmul.f32 v53, v14  }
0x5f: {  	[tilespmem:$0x1FBE0] =	vst v6;
	v61 =	vld.idx.msk [tilespmem:v56+s17+$0x0], $0xffff;
	v59 =	vmul.f32 v55, v15;
	v15 =	vor.u32 $0xA, v0  }
0x60: {  	[tilespmem:$0x1FBF0] =	vst v18;
	v6 =	vbroadcast v3, $0x4;
	v18 =	vld.idx.msk [tilespmem:v56+s16+$0x0], $0xffff;
	v4 =	vadd.f32 v5, v4;
	v5 =	vmul.f32 v7, v1  }
0x61: {  	v62 =	vld.idx.msk [tilespmem:v57+s16+$0x0], $0xffff;
	v13 =	vmul.f32 v13, v16;
	v16 =	vor.u32 $0xB, v0  }
0x62: {  	v12 =	vld.idx.msk [tilespmem:v57+s17+$0x0], $0xffff;
	v7 =	vbroadcast v3, $0x5;
	v4 =	vadd.f32 v5, v4;
	v5 =	vmul.f32 v59, v6  }
0x63: {  	v19 =	vld.idx.msk [tilespmem:v58+s16+$0x0], $0xffff;
	v63 =	vmul.f32 v9, v17;
	v17 =	vor.u32 $0xC, v0  }
0x64: {  	[tilespmem:$0x1FC00] =	vst v1;
	v14 =	vld.idx.msk [tilespmem:v58+s17+$0x0], $0xffff;
	v1 =	vbroadcast v3, $0x6;
	v4 =	vadd.f32 v5, v4;
	v5 =	vmul.f32 v13, v7  }
0x65: {  	v20 =	vld.idx.msk [tilespmem:v15+s16+$0x0], $0xffff;
	v9 =	vmul.f32 v61, v18;
	v18 =	vor.u32 $0xD, v0  }
0x66: {  	[tilespmem:$0x1FC10] =	vst v6;
	v15 =	vld.idx.msk [tilespmem:v15+s17+$0x0], $0xffff;
	v6 =	vbroadcast v3, $0x7;
	v4 =	vadd.f32 v5, v4;
	v5 =	vmul.f32 v63, v1  }
0x67: {  	v22 =	vor.u32 $0xE, v0;
	v12 =	vmul.f32 v12, v62;
	v21 =	vld.idx.msk [tilespmem:v16+s16+$0x0], $0xffff  }
0x68: {  	[tilespmem:$0x1FC30] =	vst v1;
	v16 =	vld.idx.msk [tilespmem:v16+s17+$0x0], $0xffff;
	v1 =	vbroadcast v3, $0x8;
	v4 =	vadd.f32 v5, v4;
	v5 =	vmul.f32 v9, v6  }
0x69: {  	v23 =	vld.idx.msk [tilespmem:v17+s16+$0x0], $0xffff;
	v10 =	vmul.f32 v14, v19;
	v19 =	vor.u32 $0xF, v0  }
0x6a: {  	v17 =	vld.idx.msk [tilespmem:v17+s17+$0x0], $0xffff;
	[tilespmem:$0x1FC40] =	vst v6;
	v6 =	vbroadcast v3, $0x9;
	v4 =	vadd.f32 v5, v4;
	v5 =	vmul.f32 v12, v1  }
0x6b: {  	v11 =	vmul.f32 v15, v20;
	v20 =	vor.u32 $0x10, v0;
	v24 =	vld.idx.msk [tilespmem:v18+s16+$0x0], $0xffff  }
0x6c: {  	v18 =	vld.idx.msk [tilespmem:v18+s17+$0x0], $0xffff;
	[tilespmem:$0x1FC50] =	vst v1;
	v1 =	vbroadcast v3, $0xA;
	v4 =	vadd.f32 v5, v4;
	v5 =	vmul.f32 v10, v6  }
0x6d: {  	v25 =	vld.idx.msk [tilespmem:v22+s16+$0x0], $0xffff;
	v15 =	vmul.f32 v16, v21;
	v21 =	vor.u32 $0x11, v0  }
0x6e: {  	v22 =	vld.idx.msk [tilespmem:v22+s17+$0x0], $0xffff;
	[tilespmem:$0x1FC60] =	vst v6;
	v6 =	vbroadcast v3, $0xB;
	v4 =	vadd.f32 v5, v4;
	v5 =	vmul.f32 v11, v1  }
0x6f: {  	[tilespmem:$0x1FC20] =	vst v7;
	v7 =	vbroadcast v3, $0xC;
	v26 =	vld.idx.msk [tilespmem:v19+s16+$0x0], $0xffff;
	v16 =	vmul.f32 v17, v23  }
0x70: {  	v19 =	vld.idx.msk [tilespmem:v19+s17+$0x0], $0xffff;
	v23 =	vor.u32 $0x12, v0;
	v4 =	vadd.f32 v5, v4;
	v5 =	vmul.f32 v15, v6  }
0x71: {  	v31 =	vor.u32 $0x18, v0;
	v27 =	vld.idx.msk [tilespmem:v20+s16+$0x0], $0xffff;
	v17 =	vmul.f32 v18, v24  }
0x72: {  	v20 =	vld.idx.msk [tilespmem:v20+s17+$0x0], $0xffff;
	[tilespmem:$0x1FC70] =	vst v1;
	v1 =	vbroadcast v3, $0xD;
	v4 =	vadd.f32 v5, v4;
	v5 =	vmul.f32 v16, v7  }
0x73: {  	v24 =	vor.u32 $0x13, v0;
	v18 =	vmul.f32 v22, v25;
	v28 =	vld.idx.msk [tilespmem:v21+s16+$0x0], $0xffff  }
0x74: {  	[tilespmem:$0x1FC80] =	vst v6;
	v21 =	vld.idx.msk [tilespmem:v21+s17+$0x0], $0xffff;
	v6 =	vbroadcast v3, $0xE;
	v4 =	vadd.f32 v5, v4;
	v5 =	vmul.f32 v17, v1  }
0x75: {  	v22 =	vld.idx.msk [tilespmem:v23+s16+$0x0], $0xffff;
	[tilespmem:$0x1FCA0] =	vst v1;
	v1 =	vbroadcast v3, $0xF;
	v3 =	vor.u32 $0x14, v0  }
0x76: {  	v19 =	vmul.f32 v19, v26;
	v23 =	vld.idx.msk [tilespmem:v23+s17+$0x0], $0xffff;
	v4 =	vadd.f32 v5, v4;
	v5 =	vmul.f32 v18, v6  }
0x77: {  	v35 =	vld.idx.msk [tilespmem:v31+s16+$0x0], $0xffff;
	v25 =	vor.u32 $0x15, v0;
	v20 =	vmul.f32 v20, v27  }
0x78: {  	v26 =	vld.idx.msk [tilespmem:v24+s16+$0x0], $0xffff;
	[tilespmem:$0x1FCB0] =	vst v6;
	v6 =	vbroadcast v33, $0x0;
	v4 =	vadd.f32 v5, v4;
	v5 =	vmul.f32 v19, v1  }
0x79: {  	v27 =	vor.u32 $0x16, v0;
	v24 =	vld.idx.msk [tilespmem:v24+s17+$0x0], $0xffff;
	v21 =	vmul.f32 v21, v28  }
0x7a: {  	[tilespmem:$0x1FCC0] =	vst v1;
	v1 =	vbroadcast v33, $0x1;
	v29 =	vld.idx.msk [tilespmem:v3+s16+$0x0], $0xffff;
	v4 =	vadd.f32 v5, v4;
	v5 =	vmul.f32 v20, v6  }
0x7b: {  	v28 =	vor.u32 $0x17, v0;
	v22 =	vmul.f32 v23, v22;
	v3 =	vld.idx.msk [tilespmem:v3+s17+$0x0], $0xffff  }
0x7c: {  	v30 =	vld.idx.msk [tilespmem:v25+s16+$0x0], $0xffff;
	[tilespmem:$0x1FCD0] =	vst v6;
	v6 =	vbroadcast v33, $0x2;
	v4 =	vadd.f32 v5, v4;
	v5 =	vmul.f32 v21, v1  }
0x7d: {  	v45 =	vor.u32 $0x1F, v0;
	[tilespmem:$0x1FC90] =	vst v7;
	v25 =	vld.idx.msk [tilespmem:v25+s17+$0x0], $0xffff;
	v7 =	vbroadcast v33, $0x3  }
0x7e: {  	v32 =	vld.idx.msk [tilespmem:v27+s16+$0x0], $0xffff;
	v23 =	vmul.f32 v24, v26;
	v4 =	vadd.f32 v5, v4;
	v5 =	vmul.f32 v22, v6  }
0x7f: {  	v27 =	vld.idx.msk [tilespmem:v27+s17+$0x0], $0xffff;
	v26 =	vor.u32 $0x19, v0;
	[tilespmem:$0x1FCE0] =	vst v1;
	v1 =	vbroadcast v33, $0x4  }
0x80: {  	v34 =	vld.idx.msk [tilespmem:v28+s16+$0x0], $0xffff;
	v3 =	vmul.f32 v3, v29;
	v4 =	vadd.f32 v5, v4;
	v5 =	vmul.f32 v23, v7  }
0x81: {  	v28 =	vld.idx.msk [tilespmem:v28+s17+$0x0], $0xffff;
	[tilespmem:$0x1FCF0] =	vst v6;
	v6 =	vbroadcast v33, $0x5;
	v29 =	vor.u32 $0x1A, v0  }
0x82: {  	v31 =	vld.idx.msk [tilespmem:v31+s17+$0x0], $0xffff;
	v3 =	vmul.f32 v3, v1;
	v4 =	vadd.f32 v5, v4;
	v5 =	vmul.f32 v25, v30  }
0x83: {  	v42 =	vld.idx.msk [tilespmem:v45+s16+$0x0], $0xffff;
	[tilespmem:$0x1FD10] =	vst v1;
	v1 =	vbroadcast v33, $0x6;
	v30 =	vor.u32 $0x1B, v0  }
0x84: {  	v36 =	vld.idx.msk [tilespmem:v26+s16+$0x0], $0xffff;
	v3 =	vadd.f32 v3, v4;
	v4 =	vmul.f32 v5, v6;
	v5 =	vmul.f32 v27, v32  }
0x85: {  	v12 =	vor.u32 $0x1C, v0;
	v37 =	vld.idx.msk [tilespmem:v26+s17+$0x0], $0xffff;
	[tilespmem:$0x1FD20] =	vst v6;
	v6 =	vbroadcast v33, $0x7  }
0x86: {  	v38 =	vld.idx.msk [tilespmem:v29+s16+$0x0], $0xffff;
	v3 =	vadd.f32 v4, v3;
	v4 =	vmul.f32 v5, v1;
	v5 =	vmul.f32 v28, v34  }
0x87: {  	v13 =	vor.u32 $0x1D, v0;
	[tilespmem:$0x1FD30] =	vst v1;
	v29 =	vld.idx.msk [tilespmem:v29+s17+$0x0], $0xffff;
	v1 =	vbroadcast v33, $0x8  }
0x88: {  	v39 =	vld.idx.msk [tilespmem:v30+s16+$0x0], $0xffff;
	v3 =	vadd.f32 v4, v3;
	v4 =	vmul.f32 v5, v6;
	v5 =	vmul.f32 v31, v35  }
0x89: {  	[tilespmem:$0x1FD40] =	vst v6;
	v30 =	vld.idx.msk [tilespmem:v30+s17+$0x0], $0xffff;
	v6 =	vbroadcast v33, $0x9;
	v31 =	vor.u32 $0x1E, v0  }
0x8a: {  	v14 =	vld.idx.msk [tilespmem:v12+s16+$0x0], $0xffff;
	v3 =	vadd.f32 v4, v3;
	v4 =	vmul.f32 v5, v1;
	v5 =	vmul.f32 v37, v36  }
0x8b: {  	v47 =	vor.u32 $0x20, v0;
	[tilespmem:$0x1FD00] =	vst v7;
	v7 =	vbroadcast v33, $0xA;
	v32 =	vld.idx.msk [tilespmem:v12+s17+$0x0], $0xffff  }
0x8c: {  	v46 =	vld.idx.msk [tilespmem:v13+s16+$0x0], $0xffff;
	v3 =	vadd.f32 v4, v3;
	v4 =	vmul.f32 v5, v6;
	v5 =	vmul.f32 v29, v38  }
0x8d: {  	v48 =	vor.u32 $0x21, v0;
	v34 =	vld.idx.msk [tilespmem:v13+s17+$0x0], $0xffff;
	[tilespmem:$0x1FD50] =	vst v1;
	v1 =	vbroadcast v33, $0xB  }
0x8e: {  	v40 =	vld.idx.msk [tilespmem:v31+s16+$0x0], $0xffff;
	v3 =	vadd.f32 v4, v3;
	v4 =	vmul.f32 v5, v7;
	v5 =	vmul.f32 v30, v39  }
0x8f: {  	v49 =	vor.u32 $0x22, v0;
	[tilespmem:$0x1FD60] =	vst v6;
	v6 =	vbroadcast v33, $0xC;
	v41 =	vld.idx.msk [tilespmem:v31+s17+$0x0], $0xffff  }
0x90: {  	v43 =	vld.idx.msk [tilespmem:v47+s16+$0x0], $0xffff;
	v3 =	vadd.f32 v4, v3;
	v4 =	vmul.f32 v5, v1;
	v5 =	vmul.f32 v32, v14  }
0x91: {  	v50 =	vor.u32 $0x23, v0;
	v36 =	vld.idx.msk [tilespmem:v45+s17+$0x0], $0xffff;
	[tilespmem:$0x1FD80] =	vst v1;
	v1 =	vbroadcast v33, $0xD  }
0x92: {  	v44 =	vld.idx.msk [tilespmem:v48+s16+$0x0], $0xffff;
	v3 =	vadd.f32 v4, v3;
	v4 =	vmul.f32 v5, v6;
	v5 =	vmul.f32 v34, v46  }
0x93: {  	v51 =	vor.u32 $0x24, v0;
	v38 =	vld.idx.msk [tilespmem:v47+s17+$0x0], $0xffff;
	[tilespmem:$0x1FD90] =	vst v6;
	v6 =	vbroadcast v33, $0xE  }
0x94: {  	v52 =	vld.idx.msk [tilespmem:v49+s16+$0x0], $0xffff;
	v3 =	vadd.f32 v4, v3;
	v4 =	vmul.f32 v5, v1;
	v5 =	vmul.f32 v41, v40  }
0x95: {  	v54 =	vor.u32 $0x26, v0;
	v39 =	vld.idx.msk [tilespmem:v48+s17+$0x0], $0xffff;
	[tilespmem:$0x1FDA0] =	vst v1;
	v1 =	vbroadcast v33, $0xF  }
0x96: {  	v55 =	vld.idx.msk [tilespmem:v50+s17+$0x0], $0xffff;
	v3 =	vadd.f32 v4, v3;
	v4 =	vmul.f32 v5, v6;
	v5 =	vmul.f32 v36, v42  }
0x97: {  	v53 =	vor.u32 $0x25, v0;
	v45 =	vld.idx.msk [tilespmem:v49+s17+$0x0], $0xffff;
	[tilespmem:$0x1FDB0] =	vst v6;
	v6 =	vbroadcast v2, $0x0  }
0x98: {  	v57 =	vld.idx.msk [tilespmem:v51+s17+$0x0], $0xffff;
	v3 =	vadd.f32 v4, v3;
	v4 =	vmul.f32 v5, v1;
	v5 =	vmul.f32 v38, v43  }
0x99: {  	v8 =	vor.u32 $0x2C, v0;
	[tilespmem:$0x1FD70] =	vst v7;
	v7 =	vbroadcast v2, $0x1;
	v46 =	vld.idx.msk [tilespmem:v50+s16+$0x0], $0xffff  }
0x9a: {  	v61 =	vld.idx.msk [tilespmem:v54+s16+$0x0], $0xffff;
	v3 =	vadd.f32 v4, v3;
	v4 =	vmul.f32 v5, v6;
	v5 =	vmul.f32 v39, v44  }
0x9b: {  	v56 =	vor.u32 $0x27, v0;
	v47 =	vld.idx.msk [tilespmem:v51+s16+$0x0], $0xffff;
	[tilespmem:$0x1FDC0] =	vst v1;
	v1 =	vbroadcast v2, $0x2  }
0x9c: {  	v58 =	vld.idx.msk [tilespmem:v53+s16+$0x0], $0xffff;
	v3 =	vadd.f32 v4, v3;
	v4 =	vmul.f32 v5, v7;
	v5 =	vmul.f32 v45, v52  }
0x9d: {  	v59 =	vor.u32 $0x28, v0;
	v42 =	vld.idx.msk [tilespmem:v53+s17+$0x0], $0xffff;
	[tilespmem:$0x1FDD0] =	vst v6;
	v6 =	vbroadcast v2, $0x3  }
0x9e: {  	v11 =	vld.idx.msk [tilespmem:v8+s16+$0x0], $0xffff;
	v3 =	vadd.f32 v4, v3;
	v4 =	vmul.f32 v5, v1;
	v5 =	vmul.f32 v55, v46  }
0x9f: {  	v62 =	vor.u32 $0x29, v0;
	v43 =	vld.idx.msk [tilespmem:v54+s17+$0x0], $0xffff;
	[tilespmem:$0x1FDF0] =	vst v1;
	v1 =	vbroadcast v2, $0x4  }
0xa0: {  	v48 =	vld.idx.msk [tilespmem:v56+s16+$0x0], $0xffff;
	v3 =	vadd.f32 v4, v3;
	v4 =	vmul.f32 v5, v6;
	v5 =	vmul.f32 v57, v47  }
0xa1: {  	v63 =	vor.u32 $0x2A, v0;
	v44 =	vld.idx.msk [tilespmem:v56+s17+$0x0], $0xffff;
	[tilespmem:$0x1FE00] =	vst v6;
	v6 =	vbroadcast v2, $0x5  }
0xa2: {  	v49 =	vld.idx.msk [tilespmem:v59+s16+$0x0], $0xffff;
	v3 =	vadd.f32 v4, v3;
	v4 =	vmul.f32 v5, v1;
	v5 =	vmul.f32 v42, v58  }
0xa3: {  	v51 =	vld.idx.msk [tilespmem:v59+s17+$0x0], $0xffff;
	v50 =	vor.u32 $0x2B, v0;
	[tilespmem:$0x1FE10] =	vst v1;
	v1 =	vbroadcast v2, $0x6  }
0xa4: {  	v52 =	vld.idx.msk [tilespmem:v62+s16+$0x0], $0xffff;
	v3 =	vadd.f32 v4, v3;
	v4 =	vmul.f32 v5, v6;
	v5 =	vmul.f32 v43, v61  }
0xa5: {  	v14 =	vor.u32 $0x31, v0;
	v46 =	vld.idx.msk [tilespmem:v62+s17+$0x0], $0xffff;
	[tilespmem:$0x1FE20] =	vst v6;
	v6 =	vbroadcast v2, $0x7  }
0xa6: {  	v53 =	vld.idx.msk [tilespmem:v63+s16+$0x0], $0xffff;
	v3 =	vadd.f32 v4, v3;
	v4 =	vmul.f32 v5, v1;
	v5 =	vmul.f32 v44, v48  }
0xa7: {  	v9 =	vor.u32 $0x2D, v0;
	v37 =	vbroadcast v2, $0x8;
	v47 =	vld.idx.msk [tilespmem:v63+s17+$0x0], $0xffff  }
0xa8: {  	v54 =	vld.idx.msk [tilespmem:v50+s16+$0x0], $0xffff;
	v3 =	vadd.f32 v4, v3;
	v4 =	vmul.f32 v5, v6;
	v5 =	vmul.f32 v51, v49  }
0xa9: {  	v10 =	vor.u32 $0x2E, v0;
	v50 =	vld.idx.msk [tilespmem:v50+s17+$0x0], $0xffff;
	[tilespmem:$0x1FE30] =	vst v1;
	v1 =	vbroadcast v2, $0x9  }
0xaa: {  	v59 =	vld.idx.msk [tilespmem:v14+s16+$0x0], $0xffff;
	v3 =	vadd.f32 v4, v3;
	v4 =	vmul.f32 v5, v37;
	v5 =	vmul.f32 v46, v52  }
0xab: {  	v12 =	vor.u32 $0x2F, v0;
	v55 =	vld.idx.msk [tilespmem:v8+s17+$0x0], $0xffff;
	v44 =	vbroadcast v2, $0xA  }
0xac: {  	v56 =	vld.idx.msk [tilespmem:v9+s16+$0x0], $0xffff;
	v3 =	vadd.f32 v4, v3;
	v4 =	vmul.f32 v5, v1;
	v5 =	vmul.f32 v47, v53  }
0xad: {  	v13 =	vor.u32 $0x30, v0;
	v48 =	vld.idx.msk [tilespmem:v9+s17+$0x0], $0xffff;
	[tilespmem:$0x1FE90] =	vst v1;
	v1 =	vbroadcast v2, $0xB  }
0xae: {  	v57 =	vld.idx.msk [tilespmem:v10+s16+$0x0], $0xffff;
	v3 =	vadd.f32 v4, v3;
	v4 =	vmul.f32 v5, v44;
	v5 =	vmul.f32 v50, v54  }
0xaf: {  	v23 =	vbroadcast v2, $0xC;
	v36 =	vor.u32 $0x32, v0;
	v49 =	vld.idx.msk [tilespmem:v10+s17+$0x0], $0xffff  }
0xb0: {  	v58 =	vld.idx.msk [tilespmem:v12+s16+$0x0], $0xffff;
	v3 =	vadd.f32 v4, v3;
	v4 =	vmul.f32 v5, v1;
	v5 =	vmul.f32 v55, v11  }
0xb1: {  	v32 =	vbroadcast v2, $0xD;
	v39 =	vor.u32 $0x33, v0;
	v52 =	vld.idx.msk [tilespmem:v12+s17+$0x0], $0xffff  }
0xb2: {  	v38 =	vld.idx.msk [tilespmem:v13+s16+$0x0], $0xffff;
	v3 =	vadd.f32 v4, v3;
	v4 =	vmul.f32 v5, v23;
	v5 =	vmul.f32 v48, v56  }
0xb3: {  	v46 =	vbroadcast v2, $0xE;
	v53 =	vld.idx.msk [tilespmem:v13+s17+$0x0], $0xffff;
	v47 =	vor.u32 $0x36, v0  }
0xb4: {  	v40 =	vld.idx.msk [tilespmem:v36+s17+$0x0], $0xffff;
	v49 =	vmul.f32 v49, v57;
	v3 =	vadd.f32 v4, v3;
	v4 =	vmul.f32 v5, v32  }
0xb5: {  	v10 =	vbroadcast v2, $0xF;
	v54 =	vld.idx.msk [tilespmem:v14+s17+$0x0], $0xffff;
	v5 =	vor.u32 $0x34, v0  }
0xb6: {  	v41 =	vld.idx.msk [tilespmem:v39+s16+$0x0], $0xffff;
	v57 =	vmul.f32 v49, v46;
	v52 =	vmul.f32 v52, v58;
	v3 =	vadd.f32 v4, v3  }
0xb7: {  	v17 =	vmov v60;
	v2 =	vld.idx.msk [tilespmem:v36+s16+$0x0], $0xffff;
	[tilespmem:$0x1FEE0] =	vst v1;
	v1 =	vbroadcast v60, $0x0;
	v4 =	vor.u32 $0x35, v0  }
0xb8: {  	v45 =	vld.idx.msk [tilespmem:v39+s17+$0x0], $0xffff;
	v42 =	vmul.f32 v52, v10;
	v43 =	vmul.f32 v53, v38;
	v3 =	vadd.f32 v57, v3  }
0xb9: {  	v34 =	vor.u32 $0x38, v0;
	v51 =	vbroadcast v17, $0x1;
	v35 =	vld.idx.msk [tilespmem:v47+s16+$0x0], $0xffff  }
0xba: {  	v63 =	vmul.f32 v54, v59;
	v52 =	vmul.f32 v43, v1;
	v8 =	vld.idx.msk [tilespmem:v5+s16+$0x0], $0xffff;
	v3 =	vadd.f32 v42, v3  }
0xbb: {  	v30 =	vbroadcast v17, $0x2;
	v9 =	vor.u32 $0x37, v0;
	v5 =	vld.idx.msk [tilespmem:v5+s17+$0x0], $0xffff  }
0xbc: {  	v2 =	vmul.f32 v40, v2;
	v33 =	vmul.f32 v63, v51;
	v11 =	vld.idx.msk [tilespmem:v4+s16+$0x0], $0xffff;
	v3 =	vadd.f32 v52, v3  }
0xbd: {  	v61 =	vor.u32 $0x39, v0;
	v55 =	vmul.f32 v45, v41;
	v4 =	vld.idx.msk [tilespmem:v4+s17+$0x0], $0xffff  }
0xbe: {  	v53 =	vbroadcast v17, $0x3;
	v56 =	vld.idx.msk [tilespmem:v47+s17+$0x0], $0xffff;
	v2 =	vmul.f32 v2, v30;
	v3 =	vadd.f32 v33, v3  }
0xbf: {  	v62 =	vld.idx.msk [tilespmem:v34+s16+$0x0], $0xffff;
	[tilespmem:$0x1FE60] =	vst v6;
	v14 =	vbroadcast v17, $0x4  }
0xc0: {  	v6 =	vld.idx.msk [tilespmem:v9+s16+$0x0], $0xffff;
	v5 =	vmul.f32 v5, v8;
	v2 =	vadd.f32 v2, v3;
	v3 =	vmul.f32 v55, v53  }
0xc1: {  	v36 =	vor.u32 $0x3A, v0;
	v57 =	vld.idx.msk [tilespmem:v9+s17+$0x0], $0xffff;
	v9 =	vbroadcast v17, $0x5  }
0xc2: {  	v59 =	vld.idx.msk [tilespmem:v34+s17+$0x0], $0xffff;
	v4 =	vmul.f32 v4, v11;
	v2 =	vadd.f32 v3, v2;
	v3 =	vmul.f32 v5, v14  }
0xc3: {  	v16 =	vbroadcast v17, $0x6;
	[tilespmem:$0x1FDE0] =	vst v7;
	v7 =	vld.idx.msk [tilespmem:v61+s16+$0x0], $0xffff;
	v63 =	vor.u32 $0x3B, v0;
	v60 =	vmul.f32 v56, v35  }
0xc4: {  	v61 =	vld.idx.msk [tilespmem:v61+s17+$0x0], $0xffff;
	v2 =	vadd.f32 v3, v2;
	v3 =	vmul.f32 v4, v9  }
0xc5: {  	[tilespmem:$0x1FF50] =	vst v1;
	v1 =	vor.u32 $0x3C, v0;
	v60 =	vmul.f32 v60, v16  }
0xc6: {  	v38 =	vld.idx.msk [tilespmem:v36+s16+$0x0], $0xffff;
	v8 =	vbroadcast v17, $0x7;
	v4 =	vadd.f32 v3, v2;
	v3 =	vmul.f32 v57, v6  }
0xc7: {  	v59 =	vmul.f32 v59, v62;
	v5 =	vld.idx.msk [tilespmem:v36+s17+$0x0], $0xffff;
	v2 =	vor.u32 $0x3D, v0  }
0xc8: {  	v39 =	vld.idx.msk [tilespmem:v63+s16+$0x0], $0xffff;
	v6 =	vbroadcast v17, $0x8;
	v4 =	vadd.f32 v60, v4;
	v3 =	vmul.f32 v3, v8  }
0xc9: {  	v61 =	vmul.f32 v61, v7;
	v7 =	vbroadcast v17, $0x9;
	v40 =	vld.idx.msk [tilespmem:v63+s17+$0x0], $0xffff  }
0xca: {  	v41 =	vor.u32 $0x3E, v0;
	v15 =	vld.idx.msk [tilespmem:v1+s16+$0x0], $0xffff;
	v3 =	vadd.f32 v3, v4;
	v4 =	vmul.f32 v59, v6  }
0xcb: {  	v25 =	vbroadcast v17, $0xA;
	v42 =	vld.idx.msk [tilespmem:v1+s17+$0x0], $0xffff;
	v0 =	vor.u32 $0x3F, v0  }
0xcc: {  	v5 =	vmul.f32 v5, v38;
	v18 =	vld.idx.msk [tilespmem:v2+s16+$0x0], $0xffff;
	v3 =	vadd.f32 v4, v3;
	v4 =	vmul.f32 v61, v7  }
0xcd: {  	v13 =	vbroadcast v17, $0xB;
	v2 =	vld.idx.msk [tilespmem:v2+s17+$0x0], $0xffff  }
0xce: {  	v1 =	vmul.f32 v40, v39;
	v3 =	vadd.f32 v4, v3;
	v4 =	vmul.f32 v5, v25  }
0xcf: {  	v12 =	vbroadcast v17, $0xC;
	v19 =	vld.idx.msk [tilespmem:v41+s16+$0x0], $0xffff  }
0xd0: {  	v1 =	vmul.f32 v1, v13;
	v20 =	vld.idx.msk [tilespmem:v0+s16+$0x0], $0xffff;
	v5 =	vmul.f32 v42, v15;
	v3 =	vadd.f32 v4, v3  }
0xd1: {  	v11 =	vbroadcast v17, $0xD;
	v15 =	vld.idx.msk [tilespmem:v41+s17+$0x0], $0xffff  }
0xd2: {  	v2 =	vmul.f32 v2, v18;
	v4 =	vld.idx.msk [tilespmem:v0+s17+$0x0], $0xffff;
	v0 =	vadd.f32 v1, v3;
	v1 =	vmul.f32 v5, v12;
	_ =	sdelay $0x1  }
0xd3: {  	v2 =	vmul.f32 v2, v11;
	v1 =	vadd.f32 v1, v0;
	_ =	sdelay $0x1  }
0xd4: {  	v2 =	vadd.f32 v2, v1;
	v1 =	vld [tilespmem:$0x1FFF0]  }
0xd5: {  	v3 =	vmul.f32 v15, v19;
	v15 =	vbroadcast v17, $0xE  }
0xd6: {  	s2 =	simm.s32 $0x10;
	v0 =	vbroadcast v17, $0xF  }
0xd7: {  	v5 =	vmov s2;
	v4 =	vmul.f32 v4, v20;
	v3 =	vmul.f32 v3, v15  }
0xd8: {  	v5 =	vshll.u32 v5, $0x6  }
0xd9: {  	v4 =	vmul.f32 v4, v0;
	v3 =	vadd.f32 v3, v2;
	v2 =	vor.u32 v1, v5;
	_ =	sdelay $0x1  }
0xda: {  	v3 =	vadd.f32 v4, v3;
	_ =	sdelay $0x1  }
0xdb: {  	v4 =	vor.u32 $0x1, v2;
	[tilespmem:s0+$0x0] =	vst v3  }
0xdc: {  	v60 =	vmov v0;
	v0 =	vld.idx.msk [tilespmem:v2+s17+$0x0], $0xffff  }
0xdd: {  	v1 =	vld.idx.msk [tilespmem:v2+s16+$0x0], $0xffff;
	_ =	sdelay $0x2  }
0xde: {  	v3 =	vor.u32 $0x2, v2;
	v18 =	vld.idx.msk [tilespmem:v4+s16+$0x0], $0xffff  }
0xdf: {  	v20 =	vld.idx.msk [tilespmem:v4+s17+$0x0], $0xffff  }
0xe0: {  	v24 =	vmul.f32 v0, v1;
	v0 =	vld [tilespmem:$0x1FBC0];
	_ =	sdelay $0x2  }
0xe1: {  	v17 =	vld.idx.msk [tilespmem:v3+s16+$0x0], $0xffff  }
0xe2: {  	v21 =	vld.idx.msk [tilespmem:v3+s17+$0x0], $0xffff  }
0xe3: {  	v27 =	vmul.f32 v20, v18;
	v22 =	vmov v0;
	v18 =	vmul.f32 v24, v0;
	v0 =	vld [tilespmem:$0x1FBD0];
	_ =	sdelay $0x4  }
0xe4: {  	v5 =	vor.u32 $0x3, v2;
	v24 =	vmul.f32 v21, v17;
	v17 =	vmovc v0;
	v28 =	vadd.f32 v18, v0;
	v0 =	vld [tilespmem:$0x1FBE0];
	_ =	sdelay $0x2  }
0xe5: {  	v4 =	vor.u32 $0x4, v2;
	_ =	sdelay $0x1  }
0xe6: {  	v3 =	vor.u32 $0x5, v2;
	v19 =	vld.idx.msk [tilespmem:v5+s17+$0x0], $0xffff;
	v18 =	vmov v0;
	v0 =	vmul.f32 v27, v0  }
0xe7: {  	v1 =	vld.idx.msk [tilespmem:v5+s16+$0x0], $0xffff  }
0xe8: {  	v28 =	vadd.f32 v0, v28;
	v0 =	vld [tilespmem:$0x1FBF0]  }
0xe9: {  	v20 =	vld.idx.msk [tilespmem:v4+s16+$0x0], $0xffff  }
0xea: {  	v26 =	vld.idx.msk [tilespmem:v4+s17+$0x0], $0xffff  }
0xeb: {  	v5 =	vor.u32 $0x6, v2;
	v21 =	vld.idx.msk [tilespmem:v3+s16+$0x0], $0xffff  }
0xec: {  	v27 =	vld.idx.msk [tilespmem:v3+s17+$0x0], $0xffff  }
0xed: {  	v31 =	vmul.f32 v19, v1;
	v19 =	vmov v0;
	v3 =	vmul.f32 v24, v0;
	v0 =	vld [tilespmem:$0x1FC00];
	_ =	sdelay $0x2  }
0xee: {  	v4 =	vor.u32 $0x7, v2;
	v24 =	vld.idx.msk [tilespmem:v5+s16+$0x0], $0xffff  }
0xef: {  	v43 =	vadd.f32 v3, v28;
	v28 =	vld.idx.msk [tilespmem:v5+s17+$0x0], $0xffff  }
0xf0: {  	v29 =	vmul.f32 v26, v20;
	v20 =	vmov v0;
	v5 =	vmul.f32 v31, v0;
	v0 =	vld [tilespmem:$0x1FC10];
	_ =	sdelay $0x2  }
0xf1: {  	v26 =	vld.idx.msk [tilespmem:v4+s16+$0x0], $0xffff  }
0xf2: {  	v31 =	vld.idx.msk [tilespmem:v4+s17+$0x0], $0xffff  }
0xf3: {  	v27 =	vmul.f32 v27, v21;
	v21 =	vmov v0;
	v4 =	vmul.f32 v29, v0;
	v0 =	vld [tilespmem:$0x1FC20];
	_ =	sdelay $0x2  }
0xf4: {  	v33 =	vadd.f32 v5, v43;
	_ =	sdelay $0x1  }
0xf5: {  	v45 =	vadd.f32 v4, v33;
	v0 =	vmul.f32 v27, v0;
	_ =	sdelay $0x1  }
0xf6: {  	v34 =	vadd.f32 v0, v45;
	v0 =	vld [tilespmem:$0x1FC30];
	_ =	sdelay $0x2  }
0xf7: {  	v1 =	vor.u32 $0x8, v2;
	v47 =	vmul.f32 v28, v24;
	_ =	sdelay $0x1  }
0xf8: {  	v24 =	vmov v0;
	v0 =	vmul.f32 v47, v0;
	_ =	sdelay $0x1  }
0xf9: {  	v3 =	vor.u32 $0x9, v2;
	v33 =	vadd.f32 v0, v34;
	v0 =	vld [tilespmem:$0x1FC40]  }
0xfa: {  	v29 =	vld.idx.msk [tilespmem:v1+s17+$0x0], $0xffff  }
0xfb: {  	v27 =	vld.idx.msk [tilespmem:v1+s16+$0x0], $0xffff  }
0xfc: {  	v48 =	vmul.f32 v31, v26;
	_ =	sdelay $0x1  }
0xfd: {  	v28 =	vld.idx.msk [tilespmem:v3+s16+$0x0], $0xffff;
	v0 =	vmul.f32 v48, v0  }
0xfe: {  	v26 =	vld.idx.msk [tilespmem:v3+s17+$0x0], $0xffff  }
0xff: {  	v49 =	vmul.f32 v29, v27;
	v27 =	vadd.f32 v0, v33;
	v0 =	vld [tilespmem:$0x1FC50];
	_ =	sdelay $0x2  }
0x100: {  	v5 =	vor.u32 $0xA, v2;
	_ =	sdelay $0x1  }
0x101: {  	v3 =	vor.u32 $0xC, v2;
	v28 =	vmul.f32 v26, v28;
	v26 =	vmovc v0;
	v0 =	vmul.f32 v49, v0;
	_ =	sdelay $0x1  }
0x102: {  	v55 =	vadd.f32 v0, v27;
	v0 =	vld [tilespmem:$0x1FC60]  }
0x103: {  	v4 =	vor.u32 $0xB, v2;
	v31 =	vld.idx.msk [tilespmem:v5+s17+$0x0], $0xffff  }
0x104: {  	v1 =	vld.idx.msk [tilespmem:v5+s16+$0x0], $0xffff  }
0x105: {  	v5 =	vor.u32 $0xD, v2;
	v52 =	vld.idx.msk [tilespmem:v3+s16+$0x0], $0xffff  }
0x106: {  	v54 =	vld.idx.msk [tilespmem:v3+s17+$0x0], $0xffff  }
0x107: {  	v27 =	vmov v0;
	v3 =	vmul.f32 v28, v0;
	v0 =	vld [tilespmem:$0x1FC70]  }
0x108: {  	v50 =	vld.idx.msk [tilespmem:v4+s17+$0x0], $0xffff  }
0x109: {  	v29 =	vld.idx.msk [tilespmem:v4+s16+$0x0], $0xffff  }
0x10a: {  	v4 =	vor.u32 $0xE, v2;
	v56 =	vmul.f32 v31, v1;
	v31 =	vld.idx.msk [tilespmem:v5+s16+$0x0], $0xffff  }
0x10b: {  	v59 =	vld.idx.msk [tilespmem:v5+s17+$0x0], $0xffff  }
0x10c: {  	v28 =	vmov v0;
	v5 =	vmul.f32 v56, v0;
	v0 =	vld [tilespmem:$0x1FC80];
	_ =	sdelay $0x2  }
0x10d: {  	v58 =	vmul.f32 v50, v29;
	v61 =	vld.idx.msk [tilespmem:v4+s16+$0x0], $0xffff  }
0x10e: {  	v63 =	vld.idx.msk [tilespmem:v4+s17+$0x0], $0xffff  }
0x10f: {  	v29 =	vmov v0;
	v4 =	vmul.f32 v58, v0;
	v0 =	vld [tilespmem:$0x1FC90]  }
0x110: {  	v57 =	vadd.f32 v3, v55;
	_ =	sdelay $0x1  }
0x111: {  	v33 =	vmul.f32 v54, v52;
	v62 =	vadd.f32 v5, v57;
	_ =	sdelay $0x1  }
0x112: {  	v45 =	vadd.f32 v4, v62;
	v0 =	vmul.f32 v33, v0;
	_ =	sdelay $0x1  }
0x113: {  	v50 =	vadd.f32 v0, v45;
	v0 =	vld [tilespmem:$0x1FCA0];
	_ =	sdelay $0x2  }
0x114: {  	v48 =	vmul.f32 v59, v31;
	_ =	sdelay $0x1  }
0x115: {  	v31 =	vmov v0;
	v0 =	vmul.f32 v48, v0  }
0x116: {  	v1 =	vor.u32 $0xF, v2  }
0x117: {  	v40 =	vadd.f32 v0, v50;
	v0 =	vld [tilespmem:$0x1FCB0];
	_ =	sdelay $0x2  }
0x118: {  	v54 =	vmul.f32 v63, v61  }
0x119: {  	v47 =	vld.idx.msk [tilespmem:v1+s16+$0x0], $0xffff  }
0x11a: {  	v49 =	vld.idx.msk [tilespmem:v1+s17+$0x0], $0xffff;
	v0 =	vmul.f32 v54, v0  }
0x11b: {  	v3 =	vor.u32 $0x10, v2  }
0x11c: {  	v59 =	vadd.f32 v0, v40;
	v0 =	vld [tilespmem:$0x1FCC0];
	_ =	sdelay $0x2  }
0x11d: {  	v5 =	vor.u32 $0x11, v2;
	v57 =	vmul.f32 v49, v47  }
0x11e: {  	v52 =	vld.idx.msk [tilespmem:v3+s16+$0x0], $0xffff  }
0x11f: {  	v55 =	vld.idx.msk [tilespmem:v3+s17+$0x0], $0xffff;
	v3 =	vor.u32 $0x13, v2;
	v33 =	vmov v0;
	v0 =	vmul.f32 v57, v0;
	_ =	sdelay $0x1  }
0x120: {  	v50 =	vadd.f32 v0, v59;
	v0 =	vld [tilespmem:$0x1FCD0]  }
0x121: {  	v4 =	vor.u32 $0x12, v2;
	v1 =	vld.idx.msk [tilespmem:v5+s16+$0x0], $0xffff  }
0x122: {  	v56 =	vld.idx.msk [tilespmem:v5+s17+$0x0], $0xffff  }
0x123: {  	v5 =	vor.u32 $0x14, v2;
	v35 =	vmul.f32 v55, v52;
	v62 =	vld.idx.msk [tilespmem:v3+s16+$0x0], $0xffff  }
0x124: {  	v63 =	vld.idx.msk [tilespmem:v3+s17+$0x0], $0xffff  }
0x125: {  	v34 =	vmov v0;
	v3 =	vmul.f32 v35, v0;
	v0 =	vld [tilespmem:$0x1FCE0]  }
0x126: {  	v58 =	vld.idx.msk [tilespmem:v4+s16+$0x0], $0xffff  }
0x127: {  	v61 =	vld.idx.msk [tilespmem:v4+s17+$0x0], $0xffff  }
0x128: {  	v4 =	vor.u32 $0x15, v2;
	v52 =	vmul.f32 v56, v1;
	v54 =	vld.idx.msk [tilespmem:v5+s16+$0x0], $0xffff  }
0x129: {  	v57 =	vld.idx.msk [tilespmem:v5+s17+$0x0], $0xffff  }
0x12a: {  	v35 =	vmov v0;
	v5 =	vmul.f32 v52, v0;
	v0 =	vld [tilespmem:$0x1FCF0];
	_ =	sdelay $0x2  }
0x12b: {  	v56 =	vmul.f32 v61, v58;
	v58 =	vld.idx.msk [tilespmem:v4+s16+$0x0], $0xffff  }
0x12c: {  	v59 =	vld.idx.msk [tilespmem:v4+s17+$0x0], $0xffff  }
0x12d: {  	v36 =	vmov v0;
	v4 =	vmul.f32 v56, v0;
	v0 =	vld [tilespmem:$0x1FD00]  }
0x12e: {  	v55 =	vadd.f32 v3, v50;
	_ =	sdelay $0x1  }
0x12f: {  	v40 =	vmul.f32 v63, v62;
	v39 =	vadd.f32 v5, v55;
	_ =	sdelay $0x1  }
0x130: {  	v61 =	vadd.f32 v4, v39;
	v0 =	vmul.f32 v40, v0;
	_ =	sdelay $0x1  }
0x131: {  	v63 =	vmul.f32 v57, v54;
	v54 =	vadd.f32 v0, v61;
	v0 =	vld [tilespmem:$0x1FD10];
	_ =	sdelay $0x4  }
0x132: {  	v38 =	vmov v0;
	v0 =	vmul.f32 v63, v0  }
0x133: {  	v1 =	vor.u32 $0x16, v2  }
0x134: {  	v47 =	vadd.f32 v0, v54;
	v0 =	vld [tilespmem:$0x1FD20];
	_ =	sdelay $0x2  }
0x135: {  	v58 =	vmul.f32 v59, v58  }
0x136: {  	v62 =	vld.idx.msk [tilespmem:v1+s16+$0x0], $0xffff  }
0x137: {  	v3 =	vor.u32 $0x17, v2;
	v52 =	vld.idx.msk [tilespmem:v1+s17+$0x0], $0xffff;
	v0 =	vmul.f32 v58, v0;
	_ =	sdelay $0x1  }
0x138: {  	v56 =	vadd.f32 v0, v47;
	v0 =	vld [tilespmem:$0x1FD30];
	_ =	sdelay $0x2  }
0x139: {  	v5 =	vor.u32 $0x18, v2;
	v55 =	vld.idx.msk [tilespmem:v3+s16+$0x0], $0xffff;
	v62 =	vmul.f32 v52, v62  }
0x13a: {  	v59 =	vld.idx.msk [tilespmem:v3+s17+$0x0], $0xffff;
	v3 =	vor.u32 $0x1A, v2  }
0x13b: {  	v40 =	vmov v0;
	v0 =	vmul.f32 v62, v0;
	_ =	sdelay $0x1  }
0x13c: {  	v58 =	vadd.f32 v0, v56;
	v0 =	vld [tilespmem:$0x1FD40]  }
0x13d: {  	v4 =	vor.u32 $0x19, v2;
	v1 =	vld.idx.msk [tilespmem:v5+s16+$0x0], $0xffff  }
0x13e: {  	v49 =	vld.idx.msk [tilespmem:v3+s17+$0x0], $0xffff  }
0x13f: {  	v42 =	vmul.f32 v59, v55;
	v61 =	vld.idx.msk [tilespmem:v5+s17+$0x0], $0xffff;
	v5 =	vor.u32 $0x1B, v2  }
0x140: {  	v47 =	vld.idx.msk [tilespmem:v3+s16+$0x0], $0xffff  }
0x141: {  	v41 =	vmov v0;
	v3 =	vmul.f32 v42, v0;
	v0 =	vld [tilespmem:$0x1FD50]  }
0x142: {  	v57 =	vld.idx.msk [tilespmem:v4+s17+$0x0], $0xffff  }
0x143: {  	v63 =	vld.idx.msk [tilespmem:v4+s16+$0x0], $0xffff  }
0x144: {  	v4 =	vor.u32 $0x1C, v2;
	v59 =	vmul.f32 v61, v1;
	v61 =	vld.idx.msk [tilespmem:v5+s16+$0x0], $0xffff  }
0x145: {  	v56 =	vld.idx.msk [tilespmem:v5+s17+$0x0], $0xffff  }
0x146: {  	v42 =	vmov v0;
	v5 =	vmul.f32 v59, v0;
	v0 =	vld [tilespmem:$0x1FD60];
	_ =	sdelay $0x2  }
0x147: {  	v63 =	vmul.f32 v57, v63;
	v57 =	vld.idx.msk [tilespmem:v4+s16+$0x0], $0xffff  }
0x148: {  	v62 =	vadd.f32 v3, v58;
	v58 =	vld.idx.msk [tilespmem:v4+s17+$0x0], $0xffff  }
0x149: {  	v43 =	vmov v0;
	v4 =	vmul.f32 v63, v0;
	v0 =	vld [tilespmem:$0x1FD70];
	_ =	sdelay $0x2  }
0x14a: {  	v47 =	vmul.f32 v49, v47;
	v39 =	vadd.f32 v5, v62;
	_ =	sdelay $0x1  }
0x14b: {  	v59 =	vadd.f32 v4, v39;
	v0 =	vmul.f32 v47, v0;
	_ =	sdelay $0x1  }
0x14c: {  	v62 =	vadd.f32 v0, v59;
	v0 =	vld [tilespmem:$0x1FD80];
	_ =	sdelay $0x2  }
0x14d: {  	v54 =	vmul.f32 v56, v61;
	_ =	sdelay $0x1  }
0x14e: {  	v45 =	vmov v0;
	v0 =	vmul.f32 v54, v0  }
0x14f: {  	v1 =	vor.u32 $0x1D, v2  }
0x150: {  	v54 =	vadd.f32 v0, v62;
	v0 =	vld [tilespmem:$0x1FD90];
	_ =	sdelay $0x2  }
0x151: {  	v63 =	vmul.f32 v58, v57  }
0x152: {  	v61 =	vld.idx.msk [tilespmem:v1+s17+$0x0], $0xffff  }
0x153: {  	v3 =	vor.u32 $0x1E, v2;
	v47 =	vld.idx.msk [tilespmem:v1+s16+$0x0], $0xffff;
	v0 =	vmul.f32 v63, v0;
	_ =	sdelay $0x1  }
0x154: {  	v5 =	vor.u32 $0x1F, v2;
	v62 =	vadd.f32 v0, v54;
	v0 =	vld [tilespmem:$0x1FDA0];
	_ =	sdelay $0x2  }
0x155: {  	v49 =	vld.idx.msk [tilespmem:v3+s16+$0x0], $0xffff;
	v61 =	vmul.f32 v61, v47  }
0x156: {  	v39 =	vld.idx.msk [tilespmem:v3+s17+$0x0], $0xffff  }
0x157: {  	v3 =	vor.u32 $0x21, v2;
	v48 =	vld.idx.msk [tilespmem:v5+s17+$0x0], $0xffff;
	v47 =	vmov v0;
	v0 =	vmul.f32 v61, v0  }
0x158: {  	v1 =	vld.idx.msk [tilespmem:v5+s16+$0x0], $0xffff  }
0x159: {  	v63 =	vadd.f32 v0, v62;
	v0 =	vld [tilespmem:$0x1FDB0]  }
0x15a: {  	v4 =	vor.u32 $0x20, v2;
	_ =	sdelay $0x1  }
0x15b: {  	v5 =	vor.u32 $0x22, v2;
	v49 =	vmul.f32 v39, v49;
	v56 =	vld.idx.msk [tilespmem:v3+s17+$0x0], $0xffff  }
0x15c: {  	v54 =	vld.idx.msk [tilespmem:v3+s16+$0x0], $0xffff  }
0x15d: {  	v58 =	vmul.f32 v48, v1;
	v48 =	vmov v0;
	v3 =	vmul.f32 v49, v0;
	v0 =	vld [tilespmem:$0x1FDC0]  }
0x15e: {  	v50 =	vld.idx.msk [tilespmem:v4+s16+$0x0], $0xffff  }
0x15f: {  	v55 =	vld.idx.msk [tilespmem:v4+s17+$0x0], $0xffff  }
0x160: {  	v4 =	vor.u32 $0x23, v2;
	v52 =	vld.idx.msk [tilespmem:v5+s16+$0x0], $0xffff  }
0x161: {  	v62 =	vld.idx.msk [tilespmem:v5+s17+$0x0], $0xffff  }
0x162: {  	v49 =	vmov v0;
	v5 =	vmul.f32 v58, v0;
	v0 =	vld [tilespmem:$0x1FDD0];
	_ =	sdelay $0x2  }
0x163: {  	v39 =	vadd.f32 v3, v63;
	v63 =	vmul.f32 v55, v50;
	v55 =	vld.idx.msk [tilespmem:v4+s16+$0x0], $0xffff  }
0x164: {  	v58 =	vld.idx.msk [tilespmem:v4+s17+$0x0], $0xffff  }
0x165: {  	v50 =	vmov v0;
	v4 =	vmul.f32 v63, v0;
	v0 =	vld [tilespmem:$0x1FDE0];
	_ =	sdelay $0x2  }
0x166: {  	v54 =	vmul.f32 v56, v54;
	v39 =	vadd.f32 v5, v39;
	_ =	sdelay $0x1  }
0x167: {  	v63 =	vadd.f32 v4, v39;
	v0 =	vmul.f32 v54, v0;
	_ =	sdelay $0x1  }
0x168: {  	v61 =	vadd.f32 v0, v63;
	v0 =	vld [tilespmem:$0x1FDF0];
	_ =	sdelay $0x2  }
0x169: {  	v59 =	vmul.f32 v62, v52;
	_ =	sdelay $0x1  }
0x16a: {  	v52 =	vmov v0;
	v0 =	vmul.f32 v59, v0  }
0x16b: {  	v1 =	vor.u32 $0x24, v2  }
0x16c: {  	v59 =	vadd.f32 v0, v61;
	v0 =	vld [tilespmem:$0x1FE00];
	_ =	sdelay $0x2  }
0x16d: {  	v5 =	vor.u32 $0x26, v2;
	v39 =	vmul.f32 v58, v55  }
0x16e: {  	v57 =	vld.idx.msk [tilespmem:v1+s17+$0x0], $0xffff  }
0x16f: {  	v54 =	vld.idx.msk [tilespmem:v1+s16+$0x0], $0xffff;
	v0 =	vmul.f32 v39, v0;
	_ =	sdelay $0x1  }
0x170: {  	v39 =	vadd.f32 v0, v59;
	v0 =	vld [tilespmem:$0x1FE10]  }
0x171: {  	v3 =	vor.u32 $0x25, v2;
	v55 =	vld.idx.msk [tilespmem:v5+s17+$0x0], $0xffff  }
0x172: {  	v1 =	vld.idx.msk [tilespmem:v5+s16+$0x0], $0xffff  }
0x173: {  	v62 =	vmul.f32 v57, v54;
	_ =	sdelay $0x1  }
0x174: {  	v54 =	vmov v0;
	v0 =	vmul.f32 v62, v0  }
0x175: {  	v56 =	vld.idx.msk [tilespmem:v3+s16+$0x0], $0xffff;
	v4 =	vor.u32 $0x27, v2  }
0x176: {  	v58 =	vld.idx.msk [tilespmem:v3+s17+$0x0], $0xffff;
	v63 =	vadd.f32 v0, v39;
	v0 =	vmul.f32 v55, v1  }
0x177: {  	v3 =	vor.u32 $0x28, v2  }
0x178: {  	[tilespmem:$0x1FE40] =	vst v0;
	v0 =	vld [tilespmem:$0x1FE20];
	_ =	sdelay $0x1  }
0x179: {  	v57 =	vld.idx.msk [tilespmem:v4+s16+$0x0], $0xffff  }
0x17a: {  	v56 =	vmul.f32 v58, v56;
	v61 =	vld.idx.msk [tilespmem:v4+s17+$0x0], $0xffff  }
0x17b: {  	v59 =	vld.idx.msk [tilespmem:v3+s16+$0x0], $0xffff  }
0x17c: {  	v62 =	vld.idx.msk [tilespmem:v3+s17+$0x0], $0xffff;
	v3 =	vmul.f32 v56, v0;
	_ =	sdelay $0x1  }
0x17d: {  	v55 =	vmov v0;
	v0 =	vadd.f32 v3, v63;
	_ =	sdelay $0x1  }
0x17e: {  	v5 =	vor.u32 $0x29, v2;
	[tilespmem:$0x1FE50] =	vst v0;
	v0 =	vmul.f32 v61, v57  }
0x17f: {  	v3 =	vld [tilespmem:$0x1FE40]  }
0x180: {  	[tilespmem:$0x1FE70] =	vst v0;
	v0 =	vld [tilespmem:$0x1FE30];
	_ =	sdelay $0x1  }
0x181: {  	v4 =	vor.u32 $0x2A, v2  }
0x182: {  	v58 =	vld.idx.msk [tilespmem:v5+s16+$0x0], $0xffff  }
0x183: {  	v63 =	vld.idx.msk [tilespmem:v5+s17+$0x0], $0xffff  }
0x184: {  	v56 =	vmov v0;
	v5 =	vmul.f32 v3, v0;
	v0 =	vld [tilespmem:$0x1FE50];
	_ =	sdelay $0x1  }
0x185: {  	v62 =	vmul.f32 v62, v59;
	v59 =	vld.idx.msk [tilespmem:v4+s17+$0x0], $0xffff  }
0x186: {  	v61 =	vld.idx.msk [tilespmem:v4+s16+$0x0], $0xffff  }
0x187: {  	v4 =	vld [tilespmem:$0x1FE70]  }
0x188: {  	v39 =	vadd.f32 v5, v0;
	v0 =	vld [tilespmem:$0x1FE60];
	_ =	sdelay $0x4  }
0x189: {  	v4 =	vmul.f32 v4, v0;
	_ =	sdelay $0x1  }
0x18a: {  	v57 =	vmov v0;
	v0 =	vadd.f32 v4, v39;
	v39 =	vmul.f32 v62, v37;
	_ =	sdelay $0x1  }
0x18b: {  	v0 =	vadd.f32 v39, v0;
	_ =	sdelay $0x1  }
0x18c: {  	[tilespmem:$0x1FEA0] =	vst v0;
	v0 =	vmul.f32 v59, v61;
	_ =	sdelay $0x1  }
0x18d: {  	[tilespmem:$0x1FEC0] =	vst v0;
	v0 =	vld [tilespmem:$0x1FE90];
	_ =	sdelay $0x2  }
0x18e: {  	v62 =	vmul.f32 v63, v58;
	_ =	sdelay $0x1  }
0x18f: {  	v59 =	vmov v0;
	v62 =	vmul.f32 v62, v0;
	v0 =	vld [tilespmem:$0x1FEA0];
	_ =	sdelay $0x4  }
0x190: {  	v0 =	vadd.f32 v62, v0;
	_ =	sdelay $0x1  }
0x191: {  	[tilespmem:$0x1FED0] =	vst v0;
	v0 =	vld [tilespmem:$0x1FEC0];
	_ =	sdelay $0x2  }
0x192: {  	v1 =	vor.u32 $0x2B, v2;
	_ =	sdelay $0x1  }
0x193: {  	v3 =	vor.u32 $0x2C, v2;
	v39 =	vmul.f32 v0, v44;
	v0 =	vld [tilespmem:$0x1FED0];
	_ =	sdelay $0x2  }
0x194: {  	[tilespmem:$0x1FE80] =	vst v37;
	v37 =	vld.idx.msk [tilespmem:v1+s16+$0x0], $0xffff  }
0x195: {  	v63 =	vld.idx.msk [tilespmem:v1+s17+$0x0], $0xffff  }
0x196: {  	v58 =	vld.idx.msk [tilespmem:v3+s16+$0x0], $0xffff;
	v0 =	vadd.f32 v39, v0  }
0x197: {  	v5 =	vor.u32 $0x2D, v2;
	v61 =	vld.idx.msk [tilespmem:v3+s17+$0x0], $0xffff  }
0x198: {  	v3 =	vor.u32 $0x2F, v2;
	[tilespmem:$0x1FEF0] =	vst v0;
	v0 =	vld [tilespmem:$0x1FEE0];
	_ =	sdelay $0x2  }
0x199: {  	[tilespmem:$0x1FEB0] =	vst v44;
	v44 =	vmul.f32 v63, v37  }
0x19a: {  	v1 =	vld.idx.msk [tilespmem:v5+s16+$0x0], $0xffff  }
0x19b: {  	v58 =	vmul.f32 v61, v58;
	v61 =	vmov v0;
	v39 =	vmul.f32 v44, v0;
	v0 =	vld.idx.msk [tilespmem:v3+s16+$0x0], $0xffff  }
0x19c: {  	v44 =	vld.idx.msk [tilespmem:v3+s17+$0x0], $0xffff  }
0x19d: {  	v3 =	vld [tilespmem:$0x1FEF0]  }
0x19e: {  	v62 =	vld.idx.msk [tilespmem:v5+s17+$0x0], $0xffff  }
0x19f: {  	v4 =	vor.u32 $0x2E, v2;
	_ =	sdelay $0x2  }
0x1a0: {  	v39 =	vadd.f32 v39, v3;
	v3 =	vmul.f32 v58, v23  }
0x1a1: {  	v1 =	vmul.f32 v62, v1  }
0x1a2: {  	v37 =	vld.idx.msk [tilespmem:v4+s16+$0x0], $0xffff;
	v3 =	vadd.f32 v3, v39  }
0x1a3: {  	v5 =	vor.u32 $0x30, v2;
	v63 =	vld.idx.msk [tilespmem:v4+s17+$0x0], $0xffff;
	[tilespmem:$0x1FF00] =	vst v1  }
0x1a4: {  	[tilespmem:$0x1FF10] =	vst v3;
	v3 =	vld [tilespmem:$0x1FF00]  }
0x1a5: {  	v4 =	vor.u32 $0x31, v2  }
0x1a6: {  	v39 =	vld [tilespmem:$0x1FF10];
	_ =	sdelay $0x1  }
0x1a7: {  	v62 =	vmov v23;
	v23 =	vld.idx.msk [tilespmem:v5+s16+$0x0], $0xffff  }
0x1a8: {  	v37 =	vmul.f32 v63, v37;
	v58 =	vld.idx.msk [tilespmem:v5+s17+$0x0], $0xffff;
	v5 =	vmul.f32 v3, v32  }
0x1a9: {  	v0 =	vmul.f32 v44, v0;
	v44 =	vld.idx.msk [tilespmem:v4+s17+$0x0], $0xffff  }
0x1aa: {  	v63 =	vmov v32;
	v32 =	vld.idx.msk [tilespmem:v4+s16+$0x0], $0xffff;
	v4 =	vmul.f32 v37, v46;
	v39 =	vadd.f32 v5, v39  }
0x1ab: {  	[tilespmem:$0x1FF30] =	vst v0  }
0x1ac: {  	v39 =	vadd.f32 v4, v39;
	v4 =	vld [tilespmem:$0x1FF30]  }
0x1ad: {  	v1 =	vor.u32 $0x32, v2;
	_ =	sdelay $0x3  }
0x1ae: {  	v4 =	vmul.f32 v4, v10  }
0x1af: {  	v37 =	vld.idx.msk [tilespmem:v1+s16+$0x0], $0xffff  }
0x1b0: {  	v0 =	vmov v46;
	v3 =	vor.u32 $0x33, v2;
	v46 =	vld.idx.msk [tilespmem:v1+s17+$0x0], $0xffff;
	[tilespmem:$0x1FF40] =	vst v4  }
0x1b1: {  	v1 =	vld [tilespmem:$0x1FF40];
	_ =	sdelay $0x3  }
0x1b2: {  	[tilespmem:$0x1FF20] =	vst v10;
	v10 =	vmul.f32 v58, v23;
	v23 =	vld.idx.msk [tilespmem:v3+s16+$0x0], $0xffff  }
0x1b3: {  	v58 =	vld.idx.msk [tilespmem:v3+s17+$0x0], $0xffff;
	v1 =	vadd.f32 v1, v39  }
0x1b4: {  	v3 =	vld [tilespmem:$0x1FF50]  }
0x1b5: {  	v5 =	vor.u32 $0x34, v2;
	[tilespmem:$0x1FF60] =	vst v1  }
0x1b6: {  	v1 =	vmul.f32 v44, v32;
	v44 =	vld [tilespmem:$0x1FF60];
	_ =	sdelay $0x2  }
0x1b7: {  	v39 =	vmul.f32 v10, v3  }
0x1b8: {  	v10 =	vld.idx.msk [tilespmem:v5+s16+$0x0], $0xffff  }
0x1b9: {  	[tilespmem:$0x1FF80] =	vst v1;
	v39 =	vadd.f32 v39, v44;
	v44 =	vld.idx.msk [tilespmem:v5+s17+$0x0], $0xffff  }
0x1ba: {  	v5 =	vld [tilespmem:$0x1FF80];
	_ =	sdelay $0x2  }
0x1bb: {  	v1 =	vmov v3;
	v3 =	vor.u32 $0x36, v2;
	_ =	sdelay $0x1  }
0x1bc: {  	[tilespmem:$0x1FF70] =	vst v51;
	v51 =	vmul.f32 v5, v51  }
0x1bd: {  	v46 =	vmul.f32 v46, v37  }
0x1be: {  	v51 =	vadd.f32 v51, v39  }
0x1bf: {  	v37 =	vmov v30;
	v30 =	vmul.f32 v46, v30;
	v46 =	vld.idx.msk [tilespmem:v3+s17+$0x0], $0xffff  }
0x1c0: {  	v39 =	vld.idx.msk [tilespmem:v3+s16+$0x0], $0xffff;
	[tilespmem:$0x1FF90] =	vst v51  }
0x1c1: {  	v3 =	vld [tilespmem:$0x1FF90];
	_ =	sdelay $0x3  }
0x1c2: {  	v4 =	vor.u32 $0x35, v2  }
0x1c3: {  	v3 =	vadd.f32 v30, v3  }
0x1c4: {  	v23 =	vmul.f32 v58, v23  }
0x1c5: {  	[tilespmem:$0x1FFA0] =	vst v3  }
0x1c6: {  	v30 =	vmov v53;
	v3 =	vmul.f32 v23, v53;
	v53 =	vld [tilespmem:$0x1FFA0]  }
0x1c7: {  	v32 =	vld.idx.msk [tilespmem:v4+s16+$0x0], $0xffff;
	v5 =	vor.u32 $0x37, v2  }
0x1c8: {  	v51 =	vld.idx.msk [tilespmem:v4+s17+$0x0], $0xffff;
	_ =	sdelay $0x2  }
0x1c9: {  	v3 =	vadd.f32 v3, v53  }
0x1ca: {  	v58 =	vmul.f32 v44, v10;
	v23 =	vld.idx.msk [tilespmem:v5+s16+$0x0], $0xffff  }
0x1cb: {  	v53 =	vmul.f32 v51, v32;
	v32 =	vld.idx.msk [tilespmem:v5+s17+$0x0], $0xffff;
	[tilespmem:$0x1FFB0] =	vst v3  }
0x1cc: {  	v4 =	vor.u32 $0x38, v2;
	v5 =	vmul.f32 v58, v14;
	v58 =	vld [tilespmem:$0x1FFB0];
	_ =	sdelay $0x4  }
0x1cd: {  	v44 =	vmovc v14;
	v14 =	vld.idx.msk [tilespmem:v4+s16+$0x0], $0xffff;
	v3 =	vor.u32 $0x3A, v2;
	v58 =	vadd.f32 v5, v58;
	v5 =	vmul.f32 v46, v39  }
0x1ce: {  	v10 =	vor.u32 $0x39, v2;
	v39 =	vld.idx.msk [tilespmem:v4+s17+$0x0], $0xffff;
	v4 =	vmul.f32 v53, v9  }
0x1cf: {  	[tilespmem:$0x1FFD0] =	vst v5  }
0x1d0: {  	v46 =	vadd.f32 v4, v58;
	v4 =	vld [tilespmem:$0x1FFD0];
	_ =	sdelay $0x1  }
0x1d1: {  	v32 =	vmul.f32 v32, v23;
	v23 =	vld.idx.msk [tilespmem:v3+s17+$0x0], $0xffff  }
0x1d2: {  	v51 =	vmov v9;
	v9 =	vld.idx.msk [tilespmem:v10+s16+$0x0], $0xffff;
	v5 =	vor.u32 $0x3B, v2  }
0x1d3: {  	v53 =	vld.idx.msk [tilespmem:v3+s16+$0x0], $0xffff  }
0x1d4: {  	[tilespmem:$0x1FFC0] =	vst v16;
	v3 =	vor.u32 $0x3D, v2;
	v58 =	vmul.f32 v4, v16;
	v16 =	vld.idx.msk [tilespmem:v10+s17+$0x0], $0xffff  }
0x1d5: {  	v4 =	vor.u32 $0x3C, v2  }
0x1d6: {  	v39 =	vmul.f32 v39, v14  }
0x1d7: {  	v32 =	vmul.f32 v32, v8;
	v14 =	vld.idx.msk [tilespmem:v5+s17+$0x0], $0xffff;
	v46 =	vadd.f32 v58, v46  }
0x1d8: {  	v39 =	vmul.f32 v39, v6;
	v58 =	vmov v8;
	v8 =	vld.idx.msk [tilespmem:v5+s16+$0x0], $0xffff  }
0x1d9: {  	v10 =	vld.idx.msk [tilespmem:v3+s17+$0x0], $0xffff;
	v32 =	vadd.f32 v32, v46;
	v5 =	vor.u32 $0x3E, v2;
	v16 =	vmul.f32 v16, v9  }
0x1da: {  	[tilespmem:$0x1FFE0] =	vst v6;
	v53 =	vmul.f32 v23, v53;
	v6 =	vld.idx.msk [tilespmem:v4+s16+$0x0], $0xffff  }
0x1db: {  	v2 =	vor.u32 $0x3F, v2;
	v46 =	vld.idx.msk [tilespmem:v4+s17+$0x0], $0xffff;
	v32 =	vadd.f32 v39, v32;
	v4 =	vmul.f32 v16, v7  }
0x1dc: {  	v23 =	vmov v7;
	v7 =	vld.idx.msk [tilespmem:v3+s16+$0x0], $0xffff  }
0x1dd: {  	v3 =	vmul.f32 v53, v25;
	v4 =	vadd.f32 v4, v32;
	v16 =	vmul.f32 v14, v8  }
0x1de: {  	v8 =	vld.idx.msk [tilespmem:v5+s16+$0x0], $0xffff  }
0x1df: {  	v53 =	vld.idx.msk [tilespmem:v5+s17+$0x0], $0xffff;
	v4 =	vadd.f32 v3, v4;
	v3 =	vmul.f32 v16, v13  }
0x1e0: {  	v46 =	vmul.f32 v46, v6;
	v6 =	vld.idx.msk [tilespmem:v2+s16+$0x0], $0xffff  }
0x1e1: {  	v3 =	vadd.f32 v3, v4;
	v4 =	vmul.f32 v10, v7;
	v7 =	vld.idx.msk [tilespmem:v2+s17+$0x0], $0xffff  }
0x1e2: {  	s2 =	simm.s32 $0x20;
	v5 =	vmul.f32 v46, v12  }
0x1e3: {  	v2 =	vmov s2  }
0x1e4: {  	v3 =	vadd.f32 v5, v3;
	v4 =	vmul.f32 v4, v11;
	v5 =	vmul.f32 v53, v8  }
0x1e5: {  	v39 =	vmovc v12;
	v32 =	vmovc v25;
	v25 =	vmov v13;
	v46 =	vmov v11;
	v2 =	vshll.u32 v2, $0x6  }
0x1e6: {  	s1 =	simm.s32 $0x10450;
	s2 =	simm.s32 $0x30;
	v53 =	vmovc v15;
	v3 =	vadd.f32 v4, v3;
	v5 =	vmul.f32 v5, v15;
	v4 =	vmul.f32 v7, v6  }
.LBB2_2:
0x1e7: {  	v6 =	vld [tilespmem:$0x1FFF0];
	_ =	sdelay $0x4  }
0x1e8: {  	v3 =	vadd.f32 v5, v3;
	v4 =	vmul.f32 v4, v60;
	v2 =	vor.u32 v6, v2;
	_ =	sdelay $0x1  }
0x1e9: {  	v3 =	vadd.f32 v4, v3;
	v5 =	vor.u32 $0x1, v2  }
0x1ea: {  	s1 =	sadd.s32 $0x10, s1  }
0x1eb: {  	[tilespmem:s1+$0x0] =	vst v3;
	v4 =	vor.u32 $0x2, v2  }
0x1ec: {  	v3 =	vld.idx.msk [tilespmem:v2+s17+$0x0], $0xffff  }
0x1ed: {  	v7 =	vor.u32 $0x3, v2;
	v6 =	vld.idx.msk [tilespmem:v2+s16+$0x0], $0xffff  }
0x1ee: {  	v8 =	vld.idx.msk [tilespmem:v5+s16+$0x0], $0xffff  }
0x1ef: {  	v9 =	vor.u32 $0x4, v2;
	v5 =	vld.idx.msk [tilespmem:v5+s17+$0x0], $0xffff  }
0x1f0: {  	v10 =	vld.idx.msk [tilespmem:v4+s16+$0x0], $0xffff  }
0x1f1: {  	v4 =	vld.idx.msk [tilespmem:v4+s17+$0x0], $0xffff  }
0x1f2: {  	v12 =	vld.idx.msk [tilespmem:v7+s16+$0x0], $0xffff;
	v3 =	vmul.f32 v3, v6  }
0x1f3: {  	v6 =	vld.idx.msk [tilespmem:v7+s17+$0x0], $0xffff  }
0x1f4: {  	v13 =	vld.idx.msk [tilespmem:v9+s16+$0x0], $0xffff;
	v5 =	vmul.f32 v5, v8;
	v3 =	vmul.f32 v3, v22  }
0x1f5: {  	v11 =	vor.u32 $0x5, v2;
	v8 =	vld.idx.msk [tilespmem:v9+s17+$0x0], $0xffff  }
0x1f6: {  	v4 =	vmul.f32 v4, v10;
	v5 =	vmul.f32 v5, v18;
	v3 =	vadd.f32 v3, v17  }
0x1f7: {  	v7 =	vor.u32 $0x6, v2  }
0x1f8: {  	v4 =	vmul.f32 v4, v19;
	v3 =	vadd.f32 v5, v3;
	v5 =	vmul.f32 v6, v12;
	_ =	sdelay $0x1  }
0x1f9: {  	v14 =	vld.idx.msk [tilespmem:v11+s16+$0x0], $0xffff;
	v3 =	vadd.f32 v4, v3;
	v4 =	vmul.f32 v5, v20;
	v5 =	vmul.f32 v8, v13  }
0x1fa: {  	v10 =	vld.idx.msk [tilespmem:v11+s17+$0x0], $0xffff  }
0x1fb: {  	v11 =	vld.idx.msk [tilespmem:v7+s16+$0x0], $0xffff;
	v3 =	vadd.f32 v4, v3;
	v4 =	vmul.f32 v5, v21  }
0x1fc: {  	v6 =	vld.idx.msk [tilespmem:v7+s17+$0x0], $0xffff  }
0x1fd: {  	v9 =	vor.u32 $0x7, v2;
	v3 =	vadd.f32 v4, v3;
	v4 =	vld [tilespmem:$0x1FC20];
	_ =	sdelay $0x1  }
0x1fe: {  	v15 =	vor.u32 $0x8, v2  }
0x1ff: {  	v5 =	vmul.f32 v10, v14;
	_ =	sdelay $0x1  }
0x200: {  	v16 =	vor.u32 $0x9, v2;
	v7 =	vld.idx.msk [tilespmem:v9+s16+$0x0], $0xffff;
	v4 =	vmul.f32 v5, v4;
	v5 =	vmul.f32 v6, v11  }
0x201: {  	v8 =	vld.idx.msk [tilespmem:v9+s17+$0x0], $0xffff  }
0x202: {  	v12 =	vor.u32 $0xA, v2;
	v9 =	vld.idx.msk [tilespmem:v15+s16+$0x0], $0xffff;
	v3 =	vadd.f32 v4, v3;
	v4 =	vmul.f32 v5, v24  }
0x203: {  	v10 =	vld.idx.msk [tilespmem:v15+s17+$0x0], $0xffff  }
0x204: {  	v13 =	vor.u32 $0xB, v2;
	v3 =	vadd.f32 v4, v3;
	v4 =	vld [tilespmem:$0x1FC40]  }
0x205: {  	v14 =	vld.idx.msk [tilespmem:v16+s16+$0x0], $0xffff  }
0x206: {  	v6 =	vld.idx.msk [tilespmem:v16+s17+$0x0], $0xffff  }
0x207: {  	v11 =	vld.idx.msk [tilespmem:v12+s16+$0x0], $0xffff;
	v5 =	vmul.f32 v8, v7  }
0x208: {  	v7 =	vld.idx.msk [tilespmem:v12+s17+$0x0], $0xffff  }
0x209: {  	v8 =	vld.idx.msk [tilespmem:v13+s16+$0x0], $0xffff;
	v4 =	vmul.f32 v5, v4;
	v5 =	vmul.f32 v10, v9  }
0x20a: {  	v15 =	vor.u32 $0xC, v2;
	v9 =	vld.idx.msk [tilespmem:v13+s17+$0x0], $0xffff  }
0x20b: {  	v3 =	vadd.f32 v4, v3;
	v4 =	vmul.f32 v5, v26;
	v5 =	vmul.f32 v6, v14  }
0x20c: {  	v16 =	vor.u32 $0xD, v2  }
0x20d: {  	v3 =	vadd.f32 v4, v3;
	v4 =	vmul.f32 v5, v27;
	v5 =	vmul.f32 v7, v11;
	_ =	sdelay $0x1  }
0x20e: {  	v10 =	vld.idx.msk [tilespmem:v15+s16+$0x0], $0xffff;
	v3 =	vadd.f32 v4, v3;
	v4 =	vmul.f32 v5, v28;
	v5 =	vmul.f32 v9, v8  }
0x20f: {  	v6 =	vld.idx.msk [tilespmem:v15+s17+$0x0], $0xffff  }
0x210: {  	v14 =	vld.idx.msk [tilespmem:v16+s16+$0x0], $0xffff;
	v3 =	vadd.f32 v4, v3;
	v4 =	vmul.f32 v5, v29  }
0x211: {  	v7 =	vld.idx.msk [tilespmem:v16+s17+$0x0], $0xffff  }
0x212: {  	v12 =	vor.u32 $0xE, v2;
	v3 =	vadd.f32 v4, v3;
	v4 =	vld [tilespmem:$0x1FC90];
	_ =	sdelay $0x1  }
0x213: {  	v13 =	vor.u32 $0xF, v2  }
0x214: {  	v5 =	vmul.f32 v6, v10;
	_ =	sdelay $0x1  }
0x215: {  	v15 =	vor.u32 $0x10, v2;
	v11 =	vld.idx.msk [tilespmem:v12+s16+$0x0], $0xffff;
	v4 =	vmul.f32 v5, v4;
	v5 =	vmul.f32 v7, v14  }
0x216: {  	v8 =	vld.idx.msk [tilespmem:v12+s17+$0x0], $0xffff  }
0x217: {  	v16 =	vor.u32 $0x11, v2;
	v9 =	vld.idx.msk [tilespmem:v13+s16+$0x0], $0xffff;
	v3 =	vadd.f32 v4, v3;
	v4 =	vmul.f32 v5, v31  }
0x218: {  	v6 =	vld.idx.msk [tilespmem:v13+s17+$0x0], $0xffff  }
0x219: {  	v12 =	vor.u32 $0x12, v2;
	v3 =	vadd.f32 v4, v3;
	v4 =	vld [tilespmem:$0x1FCB0]  }
0x21a: {  	v10 =	vld.idx.msk [tilespmem:v15+s16+$0x0], $0xffff  }
0x21b: {  	v7 =	vld.idx.msk [tilespmem:v15+s17+$0x0], $0xffff  }
0x21c: {  	v14 =	vld.idx.msk [tilespmem:v16+s16+$0x0], $0xffff;
	v5 =	vmul.f32 v8, v11  }
0x21d: {  	v8 =	vld.idx.msk [tilespmem:v16+s17+$0x0], $0xffff  }
0x21e: {  	v11 =	vld.idx.msk [tilespmem:v12+s16+$0x0], $0xffff;
	v4 =	vmul.f32 v5, v4;
	v5 =	vmul.f32 v6, v9  }
0x21f: {  	v13 =	vor.u32 $0x13, v2;
	v6 =	vld.idx.msk [tilespmem:v12+s17+$0x0], $0xffff  }
0x220: {  	v3 =	vadd.f32 v4, v3;
	v4 =	vmul.f32 v5, v33;
	v5 =	vmul.f32 v7, v10  }
0x221: {  	v15 =	vor.u32 $0x14, v2  }
0x222: {  	v3 =	vadd.f32 v4, v3;
	v4 =	vmul.f32 v5, v34;
	v5 =	vmul.f32 v8, v14;
	_ =	sdelay $0x1  }
0x223: {  	v9 =	vld.idx.msk [tilespmem:v13+s16+$0x0], $0xffff;
	v3 =	vadd.f32 v4, v3;
	v4 =	vmul.f32 v5, v35;
	v5 =	vmul.f32 v6, v11  }
0x224: {  	v7 =	vld.idx.msk [tilespmem:v13+s17+$0x0], $0xffff  }
0x225: {  	v10 =	vld.idx.msk [tilespmem:v15+s16+$0x0], $0xffff;
	v3 =	vadd.f32 v4, v3;
	v4 =	vmul.f32 v5, v36  }
0x226: {  	v8 =	vld.idx.msk [tilespmem:v15+s17+$0x0], $0xffff  }
0x227: {  	v16 =	vor.u32 $0x15, v2;
	v3 =	vadd.f32 v4, v3;
	v4 =	vld [tilespmem:$0x1FD00];
	_ =	sdelay $0x1  }
0x228: {  	v12 =	vor.u32 $0x16, v2  }
0x229: {  	v5 =	vmul.f32 v7, v9;
	_ =	sdelay $0x1  }
0x22a: {  	v13 =	vor.u32 $0x17, v2;
	v14 =	vld.idx.msk [tilespmem:v16+s16+$0x0], $0xffff;
	v4 =	vmul.f32 v5, v4;
	v5 =	vmul.f32 v8, v10  }
0x22b: {  	v6 =	vld.idx.msk [tilespmem:v16+s17+$0x0], $0xffff  }
0x22c: {  	v15 =	vor.u32 $0x18, v2;
	v11 =	vld.idx.msk [tilespmem:v12+s16+$0x0], $0xffff;
	v3 =	vadd.f32 v4, v3;
	v4 =	vmul.f32 v5, v38  }
0x22d: {  	v7 =	vld.idx.msk [tilespmem:v12+s17+$0x0], $0xffff  }
0x22e: {  	v16 =	vor.u32 $0x19, v2;
	v3 =	vadd.f32 v4, v3;
	v4 =	vld [tilespmem:$0x1FD20]  }
0x22f: {  	v9 =	vld.idx.msk [tilespmem:v13+s16+$0x0], $0xffff  }
0x230: {  	v8 =	vld.idx.msk [tilespmem:v13+s17+$0x0], $0xffff  }
0x231: {  	v10 =	vld.idx.msk [tilespmem:v15+s16+$0x0], $0xffff;
	v5 =	vmul.f32 v6, v14  }
0x232: {  	v6 =	vld.idx.msk [tilespmem:v15+s17+$0x0], $0xffff  }
0x233: {  	v14 =	vld.idx.msk [tilespmem:v16+s16+$0x0], $0xffff;
	v4 =	vmul.f32 v5, v4;
	v5 =	vmul.f32 v7, v11  }
0x234: {  	v12 =	vor.u32 $0x1A, v2;
	v7 =	vld.idx.msk [tilespmem:v16+s17+$0x0], $0xffff  }
0x235: {  	v3 =	vadd.f32 v4, v3;
	v4 =	vmul.f32 v5, v40;
	v5 =	vmul.f32 v8, v9  }
0x236: {  	v13 =	vor.u32 $0x1B, v2  }
0x237: {  	v3 =	vadd.f32 v4, v3;
	v4 =	vmul.f32 v5, v41;
	v5 =	vmul.f32 v6, v10;
	_ =	sdelay $0x1  }
0x238: {  	v11 =	vld.idx.msk [tilespmem:v12+s16+$0x0], $0xffff;
	v3 =	vadd.f32 v4, v3;
	v4 =	vmul.f32 v5, v42;
	v5 =	vmul.f32 v7, v14  }
0x239: {  	v8 =	vld.idx.msk [tilespmem:v12+s17+$0x0], $0xffff  }
0x23a: {  	v9 =	vld.idx.msk [tilespmem:v13+s16+$0x0], $0xffff;
	v3 =	vadd.f32 v4, v3;
	v4 =	vmul.f32 v5, v43  }
0x23b: {  	v6 =	vld.idx.msk [tilespmem:v13+s17+$0x0], $0xffff  }
0x23c: {  	v15 =	vor.u32 $0x1C, v2;
	v3 =	vadd.f32 v4, v3;
	v4 =	vld [tilespmem:$0x1FD70];
	_ =	sdelay $0x1  }
0x23d: {  	v16 =	vor.u32 $0x1D, v2  }
0x23e: {  	v5 =	vmul.f32 v8, v11;
	_ =	sdelay $0x1  }
0x23f: {  	v12 =	vor.u32 $0x1E, v2;
	v10 =	vld.idx.msk [tilespmem:v15+s16+$0x0], $0xffff;
	v4 =	vmul.f32 v5, v4;
	v5 =	vmul.f32 v6, v9  }
0x240: {  	v7 =	vld.idx.msk [tilespmem:v15+s17+$0x0], $0xffff  }
0x241: {  	v13 =	vor.u32 $0x1F, v2;
	v14 =	vld.idx.msk [tilespmem:v16+s16+$0x0], $0xffff;
	v3 =	vadd.f32 v4, v3;
	v4 =	vmul.f32 v5, v45  }
0x242: {  	v8 =	vld.idx.msk [tilespmem:v16+s17+$0x0], $0xffff  }
0x243: {  	v15 =	vor.u32 $0x20, v2;
	v3 =	vadd.f32 v4, v3;
	v4 =	vld [tilespmem:$0x1FD90]  }
0x244: {  	v11 =	vld.idx.msk [tilespmem:v12+s16+$0x0], $0xffff  }
0x245: {  	v6 =	vld.idx.msk [tilespmem:v12+s17+$0x0], $0xffff  }
0x246: {  	v9 =	vld.idx.msk [tilespmem:v13+s16+$0x0], $0xffff;
	v5 =	vmul.f32 v7, v10  }
0x247: {  	v7 =	vld.idx.msk [tilespmem:v13+s17+$0x0], $0xffff  }
0x248: {  	v10 =	vld.idx.msk [tilespmem:v15+s16+$0x0], $0xffff;
	v4 =	vmul.f32 v5, v4;
	v5 =	vmul.f32 v8, v14  }
0x249: {  	v16 =	vor.u32 $0x21, v2;
	v8 =	vld.idx.msk [tilespmem:v15+s17+$0x0], $0xffff  }
0x24a: {  	v3 =	vadd.f32 v4, v3;
	v4 =	vmul.f32 v5, v47;
	v5 =	vmul.f32 v6, v11  }
0x24b: {  	v12 =	vor.u32 $0x22, v2  }
0x24c: {  	v3 =	vadd.f32 v4, v3;
	v4 =	vmul.f32 v5, v48;
	v5 =	vmul.f32 v7, v9;
	_ =	sdelay $0x1  }
0x24d: {  	v14 =	vld.idx.msk [tilespmem:v16+s16+$0x0], $0xffff;
	v3 =	vadd.f32 v4, v3;
	v4 =	vmul.f32 v5, v49;
	v5 =	vmul.f32 v8, v10  }
0x24e: {  	v6 =	vld.idx.msk [tilespmem:v16+s17+$0x0], $0xffff  }
0x24f: {  	v11 =	vld.idx.msk [tilespmem:v12+s16+$0x0], $0xffff;
	v3 =	vadd.f32 v4, v3;
	v4 =	vmul.f32 v5, v50  }
0x250: {  	v7 =	vld.idx.msk [tilespmem:v12+s17+$0x0], $0xffff  }
0x251: {  	v13 =	vor.u32 $0x23, v2;
	v3 =	vadd.f32 v4, v3;
	v4 =	vld [tilespmem:$0x1FDE0];
	_ =	sdelay $0x1  }
0x252: {  	v15 =	vor.u32 $0x24, v2  }
0x253: {  	v5 =	vmul.f32 v6, v14;
	_ =	sdelay $0x1  }
0x254: {  	v16 =	vor.u32 $0x25, v2;
	v9 =	vld.idx.msk [tilespmem:v13+s16+$0x0], $0xffff;
	v4 =	vmul.f32 v5, v4;
	v5 =	vmul.f32 v7, v11  }
0x255: {  	v8 =	vld.idx.msk [tilespmem:v13+s17+$0x0], $0xffff  }
0x256: {  	v12 =	vor.u32 $0x26, v2;
	v10 =	vld.idx.msk [tilespmem:v15+s16+$0x0], $0xffff;
	v3 =	vadd.f32 v4, v3;
	v4 =	vmul.f32 v5, v52  }
0x257: {  	v6 =	vld.idx.msk [tilespmem:v15+s17+$0x0], $0xffff  }
0x258: {  	v13 =	vor.u32 $0x27, v2;
	v3 =	vadd.f32 v4, v3;
	v4 =	vld [tilespmem:$0x1FE00]  }
0x259: {  	v14 =	vld.idx.msk [tilespmem:v16+s16+$0x0], $0xffff  }
0x25a: {  	v7 =	vld.idx.msk [tilespmem:v16+s17+$0x0], $0xffff  }
0x25b: {  	v11 =	vld.idx.msk [tilespmem:v12+s16+$0x0], $0xffff;
	v5 =	vmul.f32 v8, v9  }
0x25c: {  	v8 =	vld.idx.msk [tilespmem:v12+s17+$0x0], $0xffff  }
0x25d: {  	v9 =	vld.idx.msk [tilespmem:v13+s16+$0x0], $0xffff;
	v4 =	vmul.f32 v5, v4;
	v5 =	vmul.f32 v6, v10  }
0x25e: {  	v15 =	vor.u32 $0x28, v2;
	v6 =	vld.idx.msk [tilespmem:v13+s17+$0x0], $0xffff  }
0x25f: {  	v3 =	vadd.f32 v4, v3;
	v4 =	vmul.f32 v5, v54;
	v5 =	vmul.f32 v7, v14  }
0x260: {  	v16 =	vor.u32 $0x29, v2  }
0x261: {  	v3 =	vadd.f32 v4, v3;
	v4 =	vmul.f32 v5, v55;
	v5 =	vmul.f32 v8, v11;
	_ =	sdelay $0x1  }
0x262: {  	v10 =	vld.idx.msk [tilespmem:v15+s16+$0x0], $0xffff;
	v3 =	vadd.f32 v4, v3;
	v4 =	vmul.f32 v5, v56;
	v5 =	vmul.f32 v6, v9  }
0x263: {  	v7 =	vld.idx.msk [tilespmem:v15+s17+$0x0], $0xffff  }
0x264: {  	v14 =	vld.idx.msk [tilespmem:v16+s16+$0x0], $0xffff;
	v3 =	vadd.f32 v4, v3;
	v4 =	vmul.f32 v5, v57  }
0x265: {  	v8 =	vld.idx.msk [tilespmem:v16+s17+$0x0], $0xffff  }
0x266: {  	v12 =	vor.u32 $0x2A, v2;
	v3 =	vadd.f32 v4, v3;
	v4 =	vld [tilespmem:$0x1FE80];
	_ =	sdelay $0x1  }
0x267: {  	v13 =	vor.u32 $0x2B, v2  }
0x268: {  	v5 =	vmul.f32 v7, v10;
	_ =	sdelay $0x1  }
0x269: {  	v15 =	vor.u32 $0x2C, v2;
	v11 =	vld.idx.msk [tilespmem:v12+s16+$0x0], $0xffff;
	v4 =	vmul.f32 v5, v4;
	v5 =	vmul.f32 v8, v14  }
0x26a: {  	v6 =	vld.idx.msk [tilespmem:v12+s17+$0x0], $0xffff  }
0x26b: {  	v16 =	vor.u32 $0x2D, v2;
	v9 =	vld.idx.msk [tilespmem:v13+s16+$0x0], $0xffff;
	v3 =	vadd.f32 v4, v3;
	v4 =	vmul.f32 v5, v59  }
0x26c: {  	v7 =	vld.idx.msk [tilespmem:v13+s17+$0x0], $0xffff  }
0x26d: {  	v12 =	vor.u32 $0x2E, v2;
	v3 =	vadd.f32 v4, v3;
	v4 =	vld [tilespmem:$0x1FEB0]  }
0x26e: {  	v10 =	vld.idx.msk [tilespmem:v15+s16+$0x0], $0xffff  }
0x26f: {  	v8 =	vld.idx.msk [tilespmem:v15+s17+$0x0], $0xffff  }
0x270: {  	v14 =	vld.idx.msk [tilespmem:v16+s16+$0x0], $0xffff;
	v5 =	vmul.f32 v6, v11  }
0x271: {  	v6 =	vld.idx.msk [tilespmem:v16+s17+$0x0], $0xffff  }
0x272: {  	v11 =	vld.idx.msk [tilespmem:v12+s16+$0x0], $0xffff;
	v4 =	vmul.f32 v5, v4;
	v5 =	vmul.f32 v7, v9  }
0x273: {  	v13 =	vor.u32 $0x2F, v2;
	v7 =	vld.idx.msk [tilespmem:v12+s17+$0x0], $0xffff  }
0x274: {  	v3 =	vadd.f32 v4, v3;
	v4 =	vmul.f32 v5, v61;
	v5 =	vmul.f32 v8, v10  }
0x275: {  	v15 =	vor.u32 $0x30, v2  }
0x276: {  	v3 =	vadd.f32 v4, v3;
	v4 =	vmul.f32 v5, v62;
	v5 =	vmul.f32 v6, v14;
	_ =	sdelay $0x1  }
0x277: {  	v9 =	vld.idx.msk [tilespmem:v13+s16+$0x0], $0xffff;
	v3 =	vadd.f32 v4, v3;
	v4 =	vmul.f32 v5, v63;
	v5 =	vmul.f32 v7, v11  }
0x278: {  	v8 =	vld.idx.msk [tilespmem:v13+s17+$0x0], $0xffff  }
0x279: {  	v10 =	vld.idx.msk [tilespmem:v15+s16+$0x0], $0xffff;
	v3 =	vadd.f32 v4, v3;
	v4 =	vmul.f32 v5, v0  }
0x27a: {  	v6 =	vld.idx.msk [tilespmem:v15+s17+$0x0], $0xffff  }
0x27b: {  	v16 =	vor.u32 $0x31, v2;
	v3 =	vadd.f32 v4, v3;
	v4 =	vld [tilespmem:$0x1FF20];
	_ =	sdelay $0x1  }
0x27c: {  	v12 =	vor.u32 $0x32, v2  }
0x27d: {  	v5 =	vmul.f32 v8, v9;
	_ =	sdelay $0x1  }
0x27e: {  	v13 =	vor.u32 $0x33, v2;
	v14 =	vld.idx.msk [tilespmem:v16+s16+$0x0], $0xffff;
	v4 =	vmul.f32 v5, v4;
	v5 =	vmul.f32 v6, v10  }
0x27f: {  	v7 =	vld.idx.msk [tilespmem:v16+s17+$0x0], $0xffff  }
0x280: {  	v15 =	vor.u32 $0x34, v2;
	v11 =	vld.idx.msk [tilespmem:v12+s16+$0x0], $0xffff;
	v3 =	vadd.f32 v4, v3;
	v4 =	vmul.f32 v5, v1  }
0x281: {  	v8 =	vld.idx.msk [tilespmem:v12+s17+$0x0], $0xffff  }
0x282: {  	v16 =	vor.u32 $0x35, v2;
	v3 =	vadd.f32 v4, v3;
	v4 =	vld [tilespmem:$0x1FF70]  }
0x283: {  	v9 =	vld.idx.msk [tilespmem:v13+s16+$0x0], $0xffff  }
0x284: {  	v6 =	vld.idx.msk [tilespmem:v13+s17+$0x0], $0xffff  }
0x285: {  	v10 =	vld.idx.msk [tilespmem:v15+s16+$0x0], $0xffff;
	v5 =	vmul.f32 v7, v14  }
0x286: {  	v7 =	vld.idx.msk [tilespmem:v15+s17+$0x0], $0xffff  }
0x287: {  	v14 =	vld.idx.msk [tilespmem:v16+s16+$0x0], $0xffff;
	v4 =	vmul.f32 v5, v4;
	v5 =	vmul.f32 v8, v11  }
0x288: {  	v12 =	vor.u32 $0x36, v2;
	v8 =	vld.idx.msk [tilespmem:v16+s17+$0x0], $0xffff  }
0x289: {  	v3 =	vadd.f32 v4, v3;
	v4 =	vmul.f32 v5, v37;
	v5 =	vmul.f32 v6, v9  }
0x28a: {  	v13 =	vor.u32 $0x37, v2  }
0x28b: {  	v3 =	vadd.f32 v4, v3;
	v4 =	vmul.f32 v5, v30;
	v5 =	vmul.f32 v7, v10;
	_ =	sdelay $0x1  }
0x28c: {  	v11 =	vld.idx.msk [tilespmem:v12+s16+$0x0], $0xffff;
	v3 =	vadd.f32 v4, v3;
	v4 =	vmul.f32 v5, v44;
	v5 =	vmul.f32 v8, v14  }
0x28d: {  	v6 =	vld.idx.msk [tilespmem:v12+s17+$0x0], $0xffff  }
0x28e: {  	v9 =	vld.idx.msk [tilespmem:v13+s16+$0x0], $0xffff;
	v3 =	vadd.f32 v4, v3;
	v4 =	vmul.f32 v5, v51  }
0x28f: {  	v7 =	vld.idx.msk [tilespmem:v13+s17+$0x0], $0xffff  }
0x290: {  	v15 =	vor.u32 $0x38, v2;
	v3 =	vadd.f32 v4, v3;
	v4 =	vld [tilespmem:$0x1FFC0];
	_ =	sdelay $0x1  }
0x291: {  	v16 =	vor.u32 $0x39, v2  }
0x292: {  	v5 =	vmul.f32 v6, v11;
	_ =	sdelay $0x1  }
0x293: {  	v12 =	vor.u32 $0x3A, v2;
	v10 =	vld.idx.msk [tilespmem:v15+s16+$0x0], $0xffff;
	v4 =	vmul.f32 v5, v4;
	v5 =	vmul.f32 v7, v9  }
0x294: {  	v8 =	vld.idx.msk [tilespmem:v15+s17+$0x0], $0xffff  }
0x295: {  	v13 =	vor.u32 $0x3B, v2;
	v14 =	vld.idx.msk [tilespmem:v16+s16+$0x0], $0xffff;
	v3 =	vadd.f32 v4, v3;
	v4 =	vmul.f32 v5, v58  }
0x296: {  	v6 =	vld.idx.msk [tilespmem:v16+s17+$0x0], $0xffff  }
0x297: {  	v15 =	vor.u32 $0x3C, v2;
	v3 =	vadd.f32 v4, v3;
	v4 =	vld [tilespmem:$0x1FFE0]  }
0x298: {  	v11 =	vld.idx.msk [tilespmem:v12+s16+$0x0], $0xffff  }
0x299: {  	v16 =	vor.u32 $0x3D, v2;
	v7 =	vld.idx.msk [tilespmem:v12+s17+$0x0], $0xffff  }
0x29a: {  	v9 =	vld.idx.msk [tilespmem:v13+s16+$0x0], $0xffff;
	v5 =	vmul.f32 v8, v10  }
0x29b: {  	v8 =	vld.idx.msk [tilespmem:v13+s17+$0x0], $0xffff  }
0x29c: {  	v12 =	vor.u32 $0x3E, v2;
	v10 =	vld.idx.msk [tilespmem:v15+s16+$0x0], $0xffff;
	v4 =	vmul.f32 v5, v4;
	v5 =	vmul.f32 v6, v14  }
0x29d: {  	v2 =	vor.u32 $0x3F, v2;
	v6 =	vld.idx.msk [tilespmem:v15+s17+$0x0], $0xffff  }
0x29e: {  	v13 =	vld.idx.msk [tilespmem:v16+s16+$0x0], $0xffff;
	v3 =	vadd.f32 v4, v3;
	v4 =	vmul.f32 v5, v23;
	v5 =	vmul.f32 v7, v11  }
0x29f: {  	v7 =	vld.idx.msk [tilespmem:v16+s17+$0x0], $0xffff  }
0x2a0: {  	v3 =	vadd.f32 v4, v3;
	v4 =	vmul.f32 v5, v32;
	v5 =	vmul.f32 v8, v9  }
0x2a1: {  	v11 =	vld.idx.msk [tilespmem:v12+s16+$0x0], $0xffff  }
0x2a2: {  	v12 =	vld.idx.msk [tilespmem:v12+s17+$0x0], $0xffff;
	v3 =	vadd.f32 v4, v3;
	v4 =	vmul.f32 v5, v25;
	v5 =	vmul.f32 v6, v10  }
0x2a3: {  	v14 =	vld.idx.msk [tilespmem:v2+s16+$0x0], $0xffff  }
0x2a4: {  	p0 =	sne.s32 s2, $0x1F0;
	v2 =	vld.idx.msk [tilespmem:v2+s17+$0x0], $0xffff;
	v3 =	vadd.f32 v4, v3;
	v4 =	vmul.f32 v5, v39;
	v5 =	vmul.f32 v7, v13  }
.Ltmp0:
0x2a5: {  	_ = 	snop;
	(pc) =	sbr.rel @p0 .LBB2_2-.Ltmp0, $4  }
0x2a6: {  	v3 =	vadd.f32 v4, v3;
	v4 =	vmul.f32 v5, v46  }
0x2a7: {  	v5 =	vmul.f32 v12, v11  }
0x2a8: {  	v6 =	vmov s2;
	v3 =	vadd.f32 v4, v3  }
0x2a9: {  	s2 =	sadd.s32 $0x10, s2;
	v5 =	vmul.f32 v5, v53;
	v4 =	vmul.f32 v2, v14;
	v2 =	vshll.u32 v6, $0x6  }
0x2aa: {  	v14 =	vld [tilespmem:$0x1FFF0];
	_ =	sdelay $0x4  }
0x2ab: {  	v3 =	vadd.f32 v5, v3;
	v4 =	vmul.f32 v4, v60;
	v2 =	vor.u32 v14, v2;
	_ =	sdelay $0x1  }
0x2ac: {  	v3 =	vadd.f32 v4, v3;
	v15 =	vor.u32 $0x1, v2  }
0x2ad: {  	s1 =	sadd.s32 $0x10, s1  }
0x2ae: {  	[tilespmem:s1+$0x0] =	vst v3;
	v16 =	vor.u32 $0x2, v2  }
0x2af: {  	v5 =	vld.idx.msk [tilespmem:v2+s17+$0x0], $0xffff  }
0x2b0: {  	v11 =	vor.u32 $0x5, v2;
	v6 =	vld.idx.msk [tilespmem:v2+s16+$0x0], $0xffff  }
0x2b1: {  	v8 =	vld.idx.msk [tilespmem:v15+s16+$0x0], $0xffff  }
0x2b2: {  	v4 =	vld.idx.msk [tilespmem:v15+s17+$0x0], $0xffff  }
0x2b3: {  	v7 =	vor.u32 $0x3, v2;
	v10 =	vld.idx.msk [tilespmem:v16+s16+$0x0], $0xffff  }
0x2b4: {  	v3 =	vld.idx.msk [tilespmem:v16+s17+$0x0], $0xffff  }
0x2b5: {  	v9 =	vor.u32 $0x4, v2;
	v16 =	vld.idx.msk [tilespmem:v11+s16+$0x0], $0xffff  }
0x2b6: {  	v11 =	vld.idx.msk [tilespmem:v11+s17+$0x0], $0xffff  }
0x2b7: {  	v13 =	vor.u32 $0x7, v2;
	v15 =	vld [tilespmem:$0x1FCB0]  }
0x2b8: {  	v12 =	vor.u32 $0x6, v2;
	v5 =	vmul.f32 v5, v6;
	v6 =	vld.idx.msk [tilespmem:v7+s16+$0x0], $0xffff  }
0x2b9: {  	v7 =	vld.idx.msk [tilespmem:v7+s17+$0x0], $0xffff  }
0x2ba: {  	v14 =	vor.u32 $0x8, v2;
	v5 =	vmul.f32 v5, v22;
	v22 =	vld.idx.msk [tilespmem:v9+s16+$0x0], $0xffff  }
0x2bb: {  	v4 =	vmul.f32 v4, v8;
	v9 =	vld.idx.msk [tilespmem:v9+s17+$0x0], $0xffff  }
0x2bc: {  	v8 =	vld.idx.msk [tilespmem:v13+s16+$0x0], $0xffff  }
0x2bd: {  	v3 =	vmul.f32 v3, v10;
	v4 =	vmul.f32 v4, v18;
	v18 =	vld.idx.msk [tilespmem:v12+s17+$0x0], $0xffff;
	v5 =	vadd.f32 v5, v17  }
0x2be: {  	v17 =	vmul.f32 v7, v6;
	v6 =	vld.idx.msk [tilespmem:v12+s16+$0x0], $0xffff;
	v12 =	vor.u32 $0x9, v2  }
0x2bf: {  	v10 =	vld.idx.msk [tilespmem:v14+s16+$0x0], $0xffff;
	v3 =	vmul.f32 v3, v19;
	v4 =	vadd.f32 v4, v5  }
0x2c0: {  	v19 =	vmul.f32 v17, v20;
	v20 =	vmul.f32 v9, v22;
	v9 =	vld.idx.msk [tilespmem:v13+s17+$0x0], $0xffff;
	v13 =	vor.u32 $0xA, v2  }
0x2c1: {  	v17 =	vld [tilespmem:$0x1FC20];
	v3 =	vadd.f32 v3, v4  }
0x2c2: {  	v22 =	vmul.f32 v11, v16;
	v11 =	vld.idx.msk [tilespmem:v14+s17+$0x0], $0xffff;
	v16 =	vor.u32 $0xB, v2  }
0x2c3: {  	v21 =	vmul.f32 v20, v21;
	v3 =	vadd.f32 v19, v3;
	v18 =	vmul.f32 v18, v6;
	v6 =	vld.idx.msk [tilespmem:v12+s16+$0x0], $0xffff  }
0x2c4: {  	v19 =	vld.idx.msk [tilespmem:v12+s17+$0x0], $0xffff  }
0x2c5: {  	v12 =	vor.u32 $0xC, v2;
	v3 =	vadd.f32 v21, v3;
	v21 =	vmul.f32 v9, v8;
	v8 =	vld.idx.msk [tilespmem:v13+s16+$0x0], $0xffff  }
0x2c6: {  	v4 =	vmul.f32 v22, v17;
	v22 =	vld [tilespmem:$0x1FC40]  }
0x2c7: {  	v9 =	vld.idx.msk [tilespmem:v13+s17+$0x0], $0xffff;
	v13 =	vor.u32 $0xD, v2  }
0x2c8: {  	v20 =	vmul.f32 v18, v24;
	v24 =	vmul.f32 v11, v10;
	v10 =	vld.idx.msk [tilespmem:v16+s16+$0x0], $0xffff;
	v3 =	vadd.f32 v4, v3  }
0x2c9: {  	v16 =	vld.idx.msk [tilespmem:v16+s17+$0x0], $0xffff;
	v17 =	vor.u32 $0xE, v2  }
0x2ca: {  	v3 =	vadd.f32 v20, v3;
	v20 =	vld.idx.msk [tilespmem:v12+s16+$0x0], $0xffff  }
0x2cb: {  	v19 =	vmul.f32 v19, v6;
	v4 =	vmul.f32 v21, v22;
	v21 =	vld.idx.msk [tilespmem:v12+s17+$0x0], $0xffff;
	v22 =	vor.u32 $0xF, v2  }
0x2cc: {  	v18 =	vmul.f32 v24, v26;
	v26 =	vmul.f32 v9, v8;
	v8 =	vld.idx.msk [tilespmem:v13+s16+$0x0], $0xffff  }
0x2cd: {  	v24 =	vmul.f32 v19, v27;
	v9 =	vld.idx.msk [tilespmem:v13+s17+$0x0], $0xffff;
	v13 =	vor.u32 $0x10, v2  }
0x2ce: {  	v27 =	vmul.f32 v26, v28;
	v28 =	vmul.f32 v16, v10;
	v10 =	vld.idx.msk [tilespmem:v17+s16+$0x0], $0xffff  }
0x2cf: {  	v16 =	vld.idx.msk [tilespmem:v17+s17+$0x0], $0xffff  }
0x2d0: {  	v3 =	vadd.f32 v4, v3;
	v17 =	vor.u32 $0x11, v2;
	v19 =	vmul.f32 v21, v20;
	v20 =	vld.idx.msk [tilespmem:v22+s16+$0x0], $0xffff  }
0x2d1: {  	v21 =	vld.idx.msk [tilespmem:v22+s17+$0x0], $0xffff  }
0x2d2: {  	v3 =	vadd.f32 v18, v3;
	v22 =	vor.u32 $0x12, v2;
	v26 =	vld.idx.msk [tilespmem:v13+s16+$0x0], $0xffff;
	v8 =	vmul.f32 v9, v8  }
0x2d3: {  	v18 =	vmul.f32 v28, v29;
	v13 =	vld.idx.msk [tilespmem:v13+s17+$0x0], $0xffff  }
0x2d4: {  	v3 =	vadd.f32 v24, v3;
	v24 =	vld [tilespmem:$0x1FC90];
	v28 =	vmul.f32 v8, v31;
	v31 =	vor.u32 $0x14, v2  }
0x2d5: {  	v29 =	vld.idx.msk [tilespmem:v17+s16+$0x0], $0xffff  }
0x2d6: {  	v14 =	vld.idx.msk [tilespmem:v17+s17+$0x0], $0xffff;
	v17 =	vor.u32 $0x15, v2  }
0x2d7: {  	v10 =	vmul.f32 v16, v10;
	v16 =	vld.idx.msk [tilespmem:v22+s16+$0x0], $0xffff  }
0x2d8: {  	v3 =	vadd.f32 v27, v3;
	v27 =	vor.u32 $0x13, v2;
	v12 =	vld.idx.msk [tilespmem:v22+s17+$0x0], $0xffff  }
0x2d9: {  	v22 =	vld.idx.msk [tilespmem:v31+s16+$0x0], $0xffff  }
0x2da: {  	v5 =	vmul.f32 v13, v26;
	v11 =	vld.idx.msk [tilespmem:v31+s17+$0x0], $0xffff  }
0x2db: {  	v6 =	vmul.f32 v21, v20;
	v20 =	vor.u32 $0x16, v2;
	v7 =	vld.idx.msk [tilespmem:v17+s17+$0x0], $0xffff  }
0x2dc: {  	v21 =	vmul.f32 v5, v34;
	v34 =	vld [tilespmem:$0x1FD00]  }
0x2dd: {  	v4 =	vmul.f32 v19, v24;
	v24 =	vor.u32 $0x17, v2;
	v19 =	vld.idx.msk [tilespmem:v27+s16+$0x0], $0xffff  }
0x2de: {  	v3 =	vadd.f32 v18, v3;
	v9 =	vld.idx.msk [tilespmem:v27+s17+$0x0], $0xffff  }
0x2df: {  	v18 =	vmul.f32 v6, v33;
	v8 =	vmul.f32 v14, v29;
	v33 =	vor.u32 $0x19, v2;
	v27 =	vld.idx.msk [tilespmem:v17+s16+$0x0], $0xffff  }
0x2e0: {  	v3 =	vadd.f32 v4, v3;
	v31 =	vld.idx.msk [tilespmem:v20+s16+$0x0], $0xffff  }
0x2e1: {  	v4 =	vmul.f32 v10, v15;
	v26 =	vmul.f32 v8, v35;
	v13 =	vld.idx.msk [tilespmem:v20+s17+$0x0], $0xffff  }
0x2e2: {  	v3 =	vadd.f32 v28, v3;
	v10 =	vmul.f32 v12, v16;
	v28 =	vor.u32 $0x18, v2;
	v35 =	vld.idx.msk [tilespmem:v24+s16+$0x0], $0xffff  }
0x2e3: {  	v14 =	vld.idx.msk [tilespmem:v24+s17+$0x0], $0xffff  }
0x2e4: {  	v29 =	vmul.f32 v10, v36;
	v36 =	vor.u32 $0x1A, v2;
	v20 =	vld.idx.msk [tilespmem:v33+s16+$0x0], $0xffff  }
0x2e5: {  	v3 =	vadd.f32 v4, v3;
	v6 =	vmul.f32 v9, v19;
	v19 =	vld [tilespmem:$0x1FD20]  }
0x2e6: {  	v5 =	vmul.f32 v11, v22;
	v9 =	vld.idx.msk [tilespmem:v33+s17+$0x0], $0xffff  }
0x2e7: {  	v3 =	vadd.f32 v18, v3;
	v18 =	vor.u32 $0x1B, v2;
	v17 =	vld.idx.msk [tilespmem:v28+s16+$0x0], $0xffff  }
0x2e8: {  	v16 =	vmul.f32 v5, v38;
	v12 =	vld.idx.msk [tilespmem:v28+s17+$0x0], $0xffff  }
0x2e9: {  	v38 =	vor.u32 $0x20, v2;
	v10 =	vmul.f32 v13, v31;
	v3 =	vadd.f32 v21, v3;
	v24 =	vld.idx.msk [tilespmem:v36+s16+$0x0], $0xffff  }
0x2ea: {  	v11 =	vld.idx.msk [tilespmem:v36+s17+$0x0], $0xffff  }
0x2eb: {  	v21 =	vor.u32 $0x1C, v2;
	v22 =	vmul.f32 v10, v40;
	v40 =	vld [tilespmem:$0x1FD70];
	v3 =	vadd.f32 v26, v3  }
0x2ec: {  	v28 =	vld.idx.msk [tilespmem:v18+s16+$0x0], $0xffff  }
0x2ed: {  	v4 =	vmul.f32 v6, v34;
	v34 =	vor.u32 $0x1F, v2;
	v8 =	vld.idx.msk [tilespmem:v18+s17+$0x0], $0xffff;
	v3 =	vadd.f32 v29, v3  }
0x2ee: {  	v7 =	vmul.f32 v7, v27;
	v18 =	vld.idx.msk [tilespmem:v38+s16+$0x0], $0xffff  }
0x2ef: {  	v26 =	vor.u32 $0x1D, v2;
	v5 =	vmul.f32 v12, v17;
	v17 =	vld [tilespmem:$0x1FD90];
	v3 =	vadd.f32 v4, v3  }
0x2f0: {  	v33 =	vld.idx.msk [tilespmem:v21+s16+$0x0], $0xffff  }
0x2f1: {  	v29 =	vor.u32 $0x1E, v2;
	v13 =	vld.idx.msk [tilespmem:v21+s17+$0x0], $0xffff;
	v4 =	vmul.f32 v7, v19;
	v3 =	vadd.f32 v16, v3  }
0x2f2: {  	v7 =	vmul.f32 v9, v20;
	v9 =	vld.idx.msk [tilespmem:v34+s17+$0x0], $0xffff  }
0x2f3: {  	v6 =	vmul.f32 v14, v35;
	v10 =	vmul.f32 v11, v24;
	v11 =	vld.idx.msk [tilespmem:v38+s17+$0x0], $0xffff;
	v3 =	vadd.f32 v4, v3  }
0x2f4: {  	v31 =	vmul.f32 v5, v42;
	v42 =	vor.u32 $0x21, v2;
	v36 =	vld.idx.msk [tilespmem:v26+s16+$0x0], $0xffff  }
0x2f5: {  	v27 =	vmul.f32 v6, v41;
	v14 =	vld.idx.msk [tilespmem:v26+s17+$0x0], $0xffff;
	v3 =	vadd.f32 v22, v3  }
0x2f6: {  	v19 =	vor.u32 $0x23, v2;
	v6 =	vmul.f32 v8, v28;
	v41 =	vld.idx.msk [tilespmem:v29+s16+$0x0], $0xffff  }
0x2f7: {  	v12 =	vld.idx.msk [tilespmem:v29+s17+$0x0], $0xffff;
	v3 =	vadd.f32 v27, v3  }
0x2f8: {  	v35 =	vmul.f32 v7, v43;
	v43 =	vmul.f32 v6, v45;
	v45 =	vld.idx.msk [tilespmem:v34+s16+$0x0], $0xffff  }
0x2f9: {  	v16 =	vor.u32 $0x22, v2;
	v21 =	vld.idx.msk [tilespmem:v42+s16+$0x0], $0xffff;
	v3 =	vadd.f32 v31, v3  }
0x2fa: {  	v8 =	vld.idx.msk [tilespmem:v42+s17+$0x0], $0xffff  }
0x2fb: {  	v4 =	vmul.f32 v10, v40;
	v29 =	vld.idx.msk [tilespmem:v19+s16+$0x0], $0xffff;
	v3 =	vadd.f32 v35, v3  }
0x2fc: {  	v7 =	vmul.f32 v14, v36;
	v22 =	vor.u32 $0x24, v2;
	v14 =	vld.idx.msk [tilespmem:v19+s17+$0x0], $0xffff  }
0x2fd: {  	v5 =	vmul.f32 v13, v33;
	v36 =	vld [tilespmem:$0x1FDE0];
	v3 =	vadd.f32 v4, v3  }
0x2fe: {  	v19 =	vor.u32 $0x2D, v2;
	v26 =	vld.idx.msk [tilespmem:v16+s16+$0x0], $0xffff  }
0x2ff: {  	v40 =	vor.u32 $0x28, v2;
	v13 =	vld.idx.msk [tilespmem:v16+s17+$0x0], $0xffff;
	v4 =	vmul.f32 v5, v17;
	v3 =	vadd.f32 v43, v3  }
0x300: {  	v16 =	vor.u32 $0x2C, v2;
	v10 =	vmul.f32 v12, v41;
	v6 =	vmul.f32 v9, v45;
	v45 =	vld [tilespmem:$0x1FE00]  }
0x301: {  	v20 =	vmul.f32 v7, v47;
	v27 =	vor.u32 $0x25, v2;
	v34 =	vld.idx.msk [tilespmem:v22+s16+$0x0], $0xffff;
	v3 =	vadd.f32 v4, v3  }
0x302: {  	v24 =	vmul.f32 v10, v48;
	v31 =	vor.u32 $0x26, v2;
	v12 =	vld.idx.msk [tilespmem:v22+s17+$0x0], $0xffff  }
0x303: {  	v28 =	vmul.f32 v6, v49;
	v6 =	vmul.f32 v14, v29;
	v29 =	vld.idx.msk [tilespmem:v19+s16+$0x0], $0xffff;
	v3 =	vadd.f32 v20, v3  }
0x304: {  	v10 =	vmul.f32 v13, v26;
	v13 =	vld.idx.msk [tilespmem:v40+s17+$0x0], $0xffff  }
0x305: {  	v48 =	vor.u32 $0x2A, v2;
	v26 =	vld.idx.msk [tilespmem:v16+s16+$0x0], $0xffff;
	v5 =	vmul.f32 v11, v18;
	v3 =	vadd.f32 v24, v3  }
0x306: {  	v38 =	vld.idx.msk [tilespmem:v27+s16+$0x0], $0xffff  }
0x307: {  	v7 =	vmul.f32 v8, v21;
	v9 =	vld.idx.msk [tilespmem:v27+s17+$0x0], $0xffff;
	v33 =	vmul.f32 v5, v50;
	v3 =	vadd.f32 v28, v3  }
0x308: {  	v35 =	vor.u32 $0x27, v2;
	v42 =	vld.idx.msk [tilespmem:v31+s16+$0x0], $0xffff  }
0x309: {  	v11 =	vld.idx.msk [tilespmem:v31+s17+$0x0], $0xffff;
	v4 =	vmul.f32 v7, v36;
	v3 =	vadd.f32 v33, v3  }
0x30a: {  	v22 =	vor.u32 $0x2E, v2;
	v18 =	vld.idx.msk [tilespmem:v48+s16+$0x0], $0xffff  }
0x30b: {  	v41 =	vmul.f32 v10, v52;
	v43 =	vor.u32 $0x29, v2;
	v50 =	vld.idx.msk [tilespmem:v40+s16+$0x0], $0xffff;
	v3 =	vadd.f32 v4, v3  }
0x30c: {  	v5 =	vmul.f32 v12, v34;
	v12 =	vld.idx.msk [tilespmem:v48+s17+$0x0], $0xffff  }
0x30d: {  	v47 =	vld.idx.msk [tilespmem:v35+s16+$0x0], $0xffff;
	v4 =	vmul.f32 v6, v45;
	v3 =	vadd.f32 v41, v3  }
0x30e: {  	v27 =	vor.u32 $0x2F, v2;
	v8 =	vld.idx.msk [tilespmem:v35+s17+$0x0], $0xffff;
	v7 =	vmul.f32 v9, v38  }
0x30f: {  	v52 =	vor.u32 $0x2B, v2;
	v34 =	vld.idx.msk [tilespmem:v22+s16+$0x0], $0xffff;
	v49 =	vmul.f32 v5, v54;
	v3 =	vadd.f32 v4, v3  }
0x310: {  	v54 =	vmul.f32 v7, v55;
	v55 =	vld.idx.msk [tilespmem:v43+s16+$0x0], $0xffff  }
0x311: {  	v10 =	vmul.f32 v11, v42;
	v14 =	vld.idx.msk [tilespmem:v43+s17+$0x0], $0xffff;
	v3 =	vadd.f32 v49, v3  }
0x312: {  	v31 =	vor.u32 $0x30, v2;
	v24 =	vld [tilespmem:$0x1FE80]  }
0x313: {  	v38 =	vld.idx.msk [tilespmem:v27+s16+$0x0], $0xffff;
	v17 =	vmul.f32 v10, v56;
	v6 =	vmul.f32 v8, v47;
	v3 =	vadd.f32 v54, v3  }
0x314: {  	v21 =	vld.idx.msk [tilespmem:v52+s16+$0x0], $0xffff  }
0x315: {  	v9 =	vld.idx.msk [tilespmem:v52+s17+$0x0], $0xffff;
	v5 =	vmul.f32 v13, v50;
	v20 =	vmul.f32 v6, v57;
	v3 =	vadd.f32 v17, v3  }
0x316: {  	v40 =	vor.u32 $0x32, v2;
	v33 =	vld [tilespmem:$0x1FEB0]  }
0x317: {  	v11 =	vld.idx.msk [tilespmem:v16+s17+$0x0], $0xffff;
	v7 =	vmul.f32 v14, v55;
	v4 =	vmul.f32 v5, v24;
	v3 =	vadd.f32 v20, v3  }
0x318: {  	v52 =	vor.u32 $0x35, v2;
	v42 =	vld.idx.msk [tilespmem:v31+s16+$0x0], $0xffff  }
0x319: {  	v13 =	vld.idx.msk [tilespmem:v22+s17+$0x0], $0xffff;
	v10 =	vmul.f32 v12, v18;
	v28 =	vmul.f32 v7, v59;
	v3 =	vadd.f32 v4, v3  }
0x31a: {  	v43 =	vor.u32 $0x33, v2;
	v8 =	vld.idx.msk [tilespmem:v19+s17+$0x0], $0xffff  }
0x31b: {  	v50 =	vld.idx.msk [tilespmem:v40+s16+$0x0], $0xffff;
	v6 =	vmul.f32 v9, v21;
	v4 =	vmul.f32 v10, v33;
	v3 =	vadd.f32 v28, v3  }
0x31c: {  	v35 =	vor.u32 $0x31, v2;
	v12 =	vld.idx.msk [tilespmem:v31+s17+$0x0], $0xffff  }
0x31d: {  	v16 =	vld.idx.msk [tilespmem:v52+s16+$0x0], $0xffff;
	v36 =	vmul.f32 v6, v61;
	v5 =	vmul.f32 v11, v26;
	v3 =	vadd.f32 v4, v3  }
0x31e: {  	v14 =	vld.idx.msk [tilespmem:v27+s17+$0x0], $0xffff  }
0x31f: {  	v56 =	vld.idx.msk [tilespmem:v43+s16+$0x0], $0xffff;
	v7 =	vmul.f32 v8, v29;
	v41 =	vmul.f32 v5, v62;
	v3 =	vadd.f32 v36, v3  }
0x320: {  	v48 =	vor.u32 $0x34, v2;
	v54 =	vld [tilespmem:$0x1FF20]  }
0x321: {  	v47 =	vld.idx.msk [tilespmem:v35+s16+$0x0], $0xffff;
	v45 =	vmul.f32 v7, v63;
	v10 =	vmul.f32 v13, v34;
	v3 =	vadd.f32 v41, v3  }
0x322: {  	v9 =	vld.idx.msk [tilespmem:v35+s17+$0x0], $0xffff  }
0x323: {  	v6 =	vmul.f32 v14, v38;
	v11 =	vld.idx.msk [tilespmem:v40+s17+$0x0], $0xffff;
	v49 =	vmul.f32 v10, v0;
	v3 =	vadd.f32 v45, v3  }
0x324: {  	v57 =	vor.u32 $0x36, v2;
	v63 =	vld [tilespmem:$0x1FF70]  }
0x325: {  	v61 =	vld.idx.msk [tilespmem:v48+s16+$0x0], $0xffff;
	v5 =	vmul.f32 v12, v42;
	v55 =	vmul.f32 v6, v54;
	v3 =	vadd.f32 v49, v3  }
0x326: {  	v8 =	vld.idx.msk [tilespmem:v43+s17+$0x0], $0xffff;
	v62 =	vor.u32 $0x37, v2  }
0x327: {  	v14 =	vld.idx.msk [tilespmem:v52+s17+$0x0], $0xffff;
	v7 =	vmul.f32 v9, v47;
	v59 =	vmul.f32 v5, v1;
	v3 =	vadd.f32 v55, v3  }
0x328: {  	v17 =	vor.u32 $0x38, v2;
	v13 =	vld.idx.msk [tilespmem:v48+s17+$0x0], $0xffff  }
0x329: {  	v19 =	vld.idx.msk [tilespmem:v57+s16+$0x0], $0xffff;
	v1 =	vmul.f32 v7, v63;
	v10 =	vmul.f32 v11, v50;
	v3 =	vadd.f32 v59, v3  }
0x32a: {  	v12 =	vld.idx.msk [tilespmem:v57+s17+$0x0], $0xffff;
	v20 =	vor.u32 $0x39, v2  }
0x32b: {  	v22 =	vld.idx.msk [tilespmem:v62+s16+$0x0], $0xffff;
	v6 =	vmul.f32 v8, v56;
	v18 =	vmul.f32 v10, v37;
	v3 =	vadd.f32 v1, v3  }
0x32c: {  	v9 =	vld.idx.msk [tilespmem:v62+s17+$0x0], $0xffff  }
0x32d: {  	v33 =	vld [tilespmem:$0x1FFC0];
	v21 =	vmul.f32 v6, v30;
	v5 =	vmul.f32 v13, v61;
	v3 =	vadd.f32 v18, v3  }
0x32e: {  	v24 =	vor.u32 $0x3A, v2;
	v27 =	vld.idx.msk [tilespmem:v17+s16+$0x0], $0xffff  }
0x32f: {  	v7 =	vmul.f32 v14, v16;
	v11 =	vld.idx.msk [tilespmem:v17+s17+$0x0], $0xffff;
	v26 =	vmul.f32 v5, v44;
	v3 =	vadd.f32 v21, v3  }
0x330: {  	v28 =	vor.u32 $0x3B, v2;
	v30 =	vld.idx.msk [tilespmem:v20+s16+$0x0], $0xffff  }
0x331: {  	v29 =	vmul.f32 v7, v51;
	v8 =	vld.idx.msk [tilespmem:v20+s17+$0x0], $0xffff;
	v10 =	vmul.f32 v12, v19;
	v3 =	vadd.f32 v26, v3  }
0x332: {  	v31 =	vor.u32 $0x3C, v2;
	v41 =	vld [tilespmem:$0x1FFE0]  }
0x333: {  	v35 =	vld.idx.msk [tilespmem:v24+s16+$0x0], $0xffff;
	v6 =	vmul.f32 v9, v22;
	v34 =	vmul.f32 v10, v33;
	v3 =	vadd.f32 v29, v3  }
0x334: {  	v13 =	vld.idx.msk [tilespmem:v24+s17+$0x0], $0xffff;
	v36 =	vor.u32 $0x3D, v2  }
0x335: {  	v37 =	vmul.f32 v6, v58;
	v38 =	vld.idx.msk [tilespmem:v28+s16+$0x0], $0xffff;
	v5 =	vmul.f32 v11, v27;
	v3 =	vadd.f32 v34, v3  }
0x336: {  	v40 =	vor.u32 $0x3E, v2;
	v14 =	vld.idx.msk [tilespmem:v28+s17+$0x0], $0xffff  }
0x337: {  	v44 =	vld.idx.msk [tilespmem:v31+s16+$0x0], $0xffff;
	v43 =	vmul.f32 v8, v30;
	v42 =	vmul.f32 v5, v41;
	v3 =	vadd.f32 v37, v3  }
0x338: {  	v2 =	vor.u32 $0x3F, v2;
	v45 =	vld.idx.msk [tilespmem:v31+s17+$0x0], $0xffff  }
0x339: {  	v47 =	vmul.f32 v43, v23;
	v48 =	vmul.f32 v13, v35;
	v9 =	vld.idx.msk [tilespmem:v36+s17+$0x0], $0xffff;
	v3 =	vadd.f32 v42, v3  }
0x33a: {  	v49 =	vld.idx.msk [tilespmem:v36+s16+$0x0], $0xffff  }
0x33b: {  	v52 =	vld.idx.msk [tilespmem:v40+s16+$0x0], $0xffff;
	v50 =	vmul.f32 v48, v32;
	v51 =	vmul.f32 v14, v38;
	v3 =	vadd.f32 v47, v3  }
0x33c: {  	v11 =	vld.idx.msk [tilespmem:v40+s17+$0x0], $0xffff  }
0x33d: {  	v56 =	vld.idx.msk [tilespmem:v2+s16+$0x0], $0xffff;
	v54 =	vmul.f32 v51, v25;
	v55 =	vmul.f32 v45, v44;
	v3 =	vadd.f32 v50, v3  }
0x33e: {  	v2 =	vld.idx.msk [tilespmem:v2+s17+$0x0], $0xffff  }
0x33f: {  	v57 =	vmul.f32 v55, v39;
	v58 =	vmul.f32 v9, v49;
	v3 =	vadd.f32 v54, v3;
	_ =	sdelay $0x1  }
0x340: {  	v61 =	vmul.f32 v11, v52;
	v59 =	vmul.f32 v58, v46;
	v3 =	vadd.f32 v57, v3;
	_ =	sdelay $0x1  }
0x341: {  	v62 =	vmul.f32 v61, v53;
	v2 =	vmul.f32 v2, v56;
	v3 =	vadd.f32 v59, v3;
	_ =	sdelay $0x1  }
0x342: {  	v63 =	vmul.f32 v2, v60;
	v0 =	vadd.f32 v62, v3;
	_ =	sdelay $0x1  }
0x343: {  	s4 =	sadd.s32 $0x1, s4;
	v0 =	vadd.f32 v63, v0  }
0x344: {  	p0 =	sne.s32 s4, s10;
	s1 =	sadd.s32 $0x10, s1  }
.Ltmp1:
0x345: {  	[tilespmem:s1+$0x0] =	vst v0;
	(pc) =	sbr.rel @p0 .LBB2_1-.Ltmp1, $4  }
0x346: {  	[hbm4b:s9+s3] =	stream.linear.scatter [tilespmem:s0], [sflag:$0x3], $0x200, $0x38;
	[tilespmem:$0x10650] =	vst v63  }
0x347: {  	_ =	swait.ge [sflag:s11], $0x200  }
0x348: {  	[sflag:s11] =	ssyncset.done $0x0  }
0x349: {  	[sflag:s11] =	ssyncadd.s32 $0xFFFFFE00  }
0x34a: {  	_ =	sfence.sel $0x180000  }
0x34b: {  	[bflag:$0x0] =	sbarrier.arrive $0xFFFF  }
0x34c: {  	_ =	strace $0x90000047  }
0x34d: {  	s0 =	stileid.u32;
	[bflag:$0x2] =	sbarrier.arrive $0xFFFF  }
0x34e: {  	p0 =	sne.s32 s0, $0x0;
	s0 =	rddreg [dreg:$0x6]  }
0x34f: {  	s0 =	sadd.s32 @!p0 $0x100000, s0  }
0x350: {  	[sflag:s0] =	ssyncadd.tile.s32 @!p0 $0x1;
	_ =	shalt  }
.Lfunc_end2:
_tile_overlayer_lowered:
.L_overlay_start_2:
0x351: {  	(tag) =	ssettag $0x2  }
0x352: {  	s0 =	rddreg [dreg:$0x0];
	s2 =	stileid.u32  }
0x353: {  	s1 =	rddreg [dreg:$0x1];
	p0 =	sne.s32 s2, $0x0  }
0x354: {  	s3 =	rddreg [dreg:$0x2];
	[bflag:$0x3] =	sbarrier.arrive $0xFFFF;
	s2 =	simm.s32 @!p0 $0x1C03  }
0x355: {  	[timem:s3], [sflag:s2] =	dma.local @!p0 [hbm:s0], s1  }
0x356: {  	s0 =	simm.s32 @!p0 $0x3  }
0x357: {  	_ =	swait.ge @!p0 [sflag:s0], s1  }
0x358: {  	s1 =	ssub.s32 @!p0 $0x0, s1;
	[sflag:s0] =	ssyncset.done @!p0 $0x0  }
0x359: {  	[sflag:s0] =	ssyncadd.s32 @!p0 s1  }
0x35a: {  	[bflag:$0x3] =	sbarrier.arrive $0xFFFF  }
0x35b: {  	_ =	shalt  }

</sc_bundles>
